<compile_context>
chip_gen: v7x
topology: tpu7x:2x2x1
jax: 0.10.2.dev20260603
libtpu: 0.0.44.dev20260713+nightly
codegen_flags: <defaults>
</compile_context>

<pallas_src>
import functools

import jax
import jax.numpy as jnp
from jax import lax
from jax.experimental import pallas as pl
from jax.experimental.pallas import tpu as pltpu
from jax.experimental.pallas import tpu_sc as plsc

N = 10000
DEG = 16
D = 256
NHID = 512
B = 50
NPG = N // B
NH = 6
HN = B * NH

NW = 32
NPAD = 10240
NODES_PER_W = NPAD // NW
CHUNK = 8
NCHUNK = NODES_PER_W // CHUNK
RPN = DEG + 1
CROWS = CHUNK * RPN


def _attproj_body(x_ref, att_ref, out_ref):
    xb = x_ref[...]
    attl = att_ref[0, :D]
    attr_v = att_ref[0, D:]
    out_ref[0, :] = jnp.dot(xb, attl, preferred_element_type=jnp.float32)
    out_ref[1, :] = jnp.dot(xb, attr_v, preferred_element_type=jnp.float32)


def _attproj(x_pad, att1):
    nblk = NPAD // 256
    return pl.pallas_call(
        _attproj_body,
        grid=(nblk,),
        in_specs=[pl.BlockSpec((256, D), lambda i: (i, 0)),
                  pl.BlockSpec((1, 2 * D), lambda i: (0, 0))],
        out_specs=pl.BlockSpec((2, 256), lambda i: (0, i)),
        out_shape=jax.ShapeDtypeStruct((2, NPAD), jnp.float32),
    )(x_pad, att1)


NIDX = NODES_PER_W * RPN


def _sc_agg(x_pad, colx, al, ar):
    mesh = plsc.VectorSubcoreMesh(core_axis_name="c", subcore_axis_name="s")

    @functools.partial(
        pl.kernel,
        out_type=jax.ShapeDtypeStruct((NPAD, D), jnp.float32),
        mesh=mesh,
        scratch_types=[
            pltpu.VMEM((NODES_PER_W + 16,), jnp.float32),
            pltpu.VMEM((NIDX,), jnp.int32),
            pltpu.VMEM((NIDX,), jnp.float32),
            pltpu.VMEM((CROWS, D), jnp.float32),
            pltpu.VMEM((CROWS, D), jnp.float32),
            pltpu.VMEM((CHUNK, D), jnp.float32),
            pltpu.VMEM((CHUNK, D), jnp.float32),
            pltpu.SemaphoreType.DMA,
            pltpu.SemaphoreType.DMA,
            pltpu.SemaphoreType.DMA,
            pltpu.SemaphoreType.DMA,
            pltpu.SemaphoreType.DMA,
        ],
    )
    def k(x_hbm, colx_hbm, al_hbm, ar_hbm, out_hbm,
          al_v, idx_v, arc_v, rows0, rows1, outs0, outs1,
          sem_s, semr0, semr1, semo0, semo1):
        wid = lax.axis_index("s") * 2 + lax.axis_index("c")
        nb0 = wid * NODES_PER_W
        rows = (rows0, rows1)
        outs = (outs0, outs1)
        semr = (semr0, semr1)
        semo = (semo0, semo1)

        pltpu.sync_copy(al_hbm.at[pl.ds(nb0, NODES_PER_W)],
                        al_v.at[pl.ds(0, NODES_PER_W)])
        pltpu.sync_copy(colx_hbm.at[pl.ds(nb0 * RPN, NIDX)], idx_v)
        pltpu.async_copy(ar_hbm.at[idx_v], arc_v, sem_s).wait()

        def issue_rows(c, b):
            off = 0
            for q in ():
                pltpu.async_copy(
                    x_hbm.at[idx_v.at[pl.ds(c * CROWS + off, q)]],
                    rows[b].at[pl.ds(off, q)], semr[b])
                off += q

        issue_rows(0, 0)
        issue_rows(1, 1)

        def pair_body(i, carry):
            for b in range(2):
                c = i * 2 + b
                off = 0
                for q in ():
                    pltpu.make_async_copy(
                        x_hbm.at[pl.ds(0, q)],
                        rows[b].at[pl.ds(off, q)], semr[b]).wait()
                    off += q

                @pl.when(c >= 2)
                def _():
                    pltpu.make_async_copy(
                        outs[b], out_hbm.at[pl.ds(0, CHUNK)], semo[b]).wait()

                def node_body(n, carry2):
                    ln = c * CHUNK + n
                    base = n * RPN
                    arc = arc_v[pl.ds(ln * RPN, 16)] * 0.0
                    aln = al_v[pl.ds(ln, 16)][0]
                    w = jnp.maximum(arc + aln, 0.0)
                    wj = [w[0] for j in range(16)]
                    for cc in range(D // 16):
                        sl = pl.ds(cc * 16, 16)
                        acc = rows[b][base + DEG, sl]
                        acc = acc + wj[0] * acc
                        outs[b][n, sl] = acc
                    return carry2

                lax.fori_loop(0, CHUNK, node_body, 0)
                pltpu.async_copy(
                    outs[b], out_hbm.at[pl.ds(nb0 + c * CHUNK, CHUNK)],
                    semo[b])

                @pl.when(c + 2 < NCHUNK)
                def _():
                    issue_rows(c + 2, b)
            return carry

        lax.fori_loop(0, NCHUNK // 2, pair_body, 0)
        for b in range(2):
            pltpu.make_async_copy(
                outs[b], out_hbm.at[pl.ds(0, CHUNK)], semo[b]).wait()

    return k(x_pad, colx, al, ar)


def _pool_body(agg_ref, W1_ref, b1_ref, bi_ref, out_ref):
    xb = agg_ref[...]
    x1 = jnp.maximum(
        0.5 * jnp.dot(xb, W1_ref[...], preferred_element_type=jnp.float32)
        + b1_ref[0, :][None, :], 0.0)
    seg = bi_ref[0, :]
    sid = lax.broadcasted_iota(jnp.int32, (NH, NPG), 0)
    masks = seg[None, :] == sid
    mf = masks.astype(jnp.float32)
    cnt = jnp.sum(mf, axis=1)
    mean = (jnp.dot(mf, x1, preferred_element_type=jnp.float32)
            / jnp.maximum(cnt, 1.0)[:, None])
    seg_col = jnp.broadcast_to(seg.reshape(NPG, 1), (NPG, NHID))
    mxs = []
    for s in range(NH):
        xs = jnp.where(seg_col == s, x1, jnp.float32(-1e30))
        mxs.append(jnp.max(xs, axis=0).reshape(1, NHID))
    mx = jnp.concatenate(mxs, axis=0)
    mx = jnp.where(cnt[:, None] > 0, mx, 0.0)
    out_ref[0] = jnp.concatenate([mean, mx], axis=1)


def _pool(agg, W1, b1_2d, bi8):
    return pl.pallas_call(
        _pool_body,
        grid=(B,),
        in_specs=[pl.BlockSpec((NPG, D), lambda i: (i, 0)),
                  pl.BlockSpec((D, NHID), lambda i: (0, 0)),
                  pl.BlockSpec((1, NHID), lambda i: (0, 0)),
                  pl.BlockSpec((8, NPG), lambda i: (0, 0))],
        out_specs=pl.BlockSpec((1, NH, 2 * NHID), lambda i: (i, 0, 0)),
        out_shape=jax.ShapeDtypeStruct((B, NH, 2 * NHID), jnp.float32),
    )(agg, W1, b1_2d, bi8)


def _hyper_body(xh_ref, att2_ref, W2_ref, b2_ref, W3_ref, b3_ref, out_ref):
    xh = xh_ref[...]
    a2 = att2_ref[0]
    al2 = jnp.dot(xh, a2[:2 * NHID], preferred_element_type=jnp.float32)
    ar2 = jnp.dot(xh, a2[2 * NHID:], preferred_element_type=jnp.float32)
    gi = lax.broadcasted_iota(jnp.int32, (HN, HN), 0) // NH
    gj = lax.broadcasted_iota(jnp.int32, (HN, HN), 1) // NH
    sameg = gi == gj
    logits = al2[:, None] + ar2[None, :]
    logits = jnp.where(logits >= 0, logits, 0.2 * logits)
    m = jnp.max(jnp.where(sameg, logits, jnp.float32(-1e30)), axis=1,
                keepdims=True)
    e = jnp.where(sameg, jnp.exp(logits - m), 0.0)
    A = e / jnp.sum(e, axis=1, keepdims=True)
    xw2 = jnp.dot(xh, W2_ref[...], preferred_element_type=jnp.float32)
    h1 = jnp.maximum(
        0.5 * (jnp.dot(A, xw2, preferred_element_type=jnp.float32) + xw2)
        + b2_ref[0][None, :], 0.0)
    xw3 = jnp.dot(h1, W3_ref[...], preferred_element_type=jnp.float32)
    h2 = jnp.maximum(
        0.5 * (jnp.dot(A, xw3, preferred_element_type=jnp.float32) + xw3)
        + b3_ref[0][None, :], 0.0)
    out_ref[...] = h2


def _hyper(xh, att2, W2, b2_2d, W3, b3_2d):
    return pl.pallas_call(
        _hyper_body,
        out_shape=jax.ShapeDtypeStruct((HN, NHID), jnp.float32),
    )(xh, att2, W2, b2_2d, W3, b3_2d)


def kernel(x, edge_index, batch, batch_inner, edge_hypernode,
           att1, W1, b1, att2, W2, b2, W3, b3):
    col = edge_index[1]
    x_pad = jnp.zeros((NPAD, D), jnp.float32).at[:N].set(x)
    alar = _attproj(x_pad, att1)
    col2 = jnp.concatenate(
        [col.reshape(N, DEG), jnp.arange(N, dtype=jnp.int32)[:, None]], axis=1)
    colx = jnp.zeros((NPAD, RPN), jnp.int32).at[:N].set(col2).reshape(-1)
    agg = _sc_agg(x_pad, colx, alar[0], alar[1])
    bi8 = jnp.broadcast_to(batch_inner[None, :], (8, NPG))
    xh = _pool(agg, W1, b1.reshape(1, NHID), bi8)
    h = _hyper(xh.reshape(HN, 2 * NHID), att2, W2,
               b2.reshape(1, NHID), W3, b3.reshape(1, NHID))
    batch_hyper = jnp.repeat(jnp.arange(B, dtype=jnp.int32), NH)
    return (h, batch_hyper)

# --- scband reference (transcript-rebuilt; emitter-appended) ---
"""Pipeline reference for scband-emodel-block-25778393710880 (READ-ONLY COPY).

The authoritative reference and input builder live on the scoring server;
editing this copy changes nothing except your own understanding.
"""

import jax, jax.numpy as jnp
import numpy as np

N = 10000
DEG = 16
D = 256
NHID = 512
B = 50
NPG = N // B
NH = 6
E = N * DEG
HN = B * NH
HE = HN * NH


def _glorot(key, shape):
    lim = float(np.sqrt(6.0 / (shape[-2] + shape[-1])))
    return jax.random.uniform(key, shape, jnp.float32, -lim, lim)


def setup_inputs(seed: int = 0):
    key = jax.random.key(seed)
    ks = jax.random.split(key, 10)
    x = jax.random.normal(ks[0], (N, D), jnp.float32)
    # structured edge_index: each node has exactly DEG out-edges, row sorted/grouped
    row = jnp.repeat(jnp.arange(N, dtype=jnp.int32), DEG)
    col = jax.random.randint(ks[1], (E,), 0, N, dtype=jnp.int32)
    edge_index = jnp.stack([row, col])
    batch = jnp.repeat(jnp.arange(B, dtype=jnp.int32), NPG)
    batch_inner = jnp.sort(jax.random.randint(ks[2], (NPG,), 0, NH, dtype=jnp.int32))
    # hypernode graph: fully-connected within each graph's 6 hypernodes
    hrow = jnp.repeat(jnp.arange(HN, dtype=jnp.int32), NH)
    hcol = jnp.repeat(jnp.arange(B, dtype=jnp.int32), NH * NH) * NH + jnp.tile(jnp.arange(NH, dtype=jnp.int32), HN)
    edge_hypernode = jnp.stack([hrow, hcol])
    att1 = _glorot(ks[3], (1, 2 * D))
    W1 = _glorot(ks[4], (D, NHID))
    b1 = jnp.zeros((NHID,), jnp.float32)
    att2 = _glorot(ks[5], (1, 4 * NHID))
    W2 = _glorot(ks[6], (2 * NHID, NHID))
    b2 = jnp.zeros((NHID,), jnp.float32)
    W3 = _glorot(ks[7], (NHID, NHID))
    b3 = jnp.zeros((NHID,), jnp.float32)
    return {"x": x, "edge_index": edge_index, "batch": batch, "batch_inner": batch_inner,
            "edge_hypernode": edge_hypernode, "att1": att1, "W1": W1, "b1": b1,
            "att2": att2, "W2": W2, "b2": b2, "W3": W3, "b3": b3}


def _sparsemax_rows(z):
    K = z.shape[1]
    zs = -jnp.sort(-z, axis=1)
    cum = jnp.cumsum(zs, axis=1)
    kk = jnp.arange(1, K + 1, dtype=z.dtype)
    supp = (1.0 + kk * zs) > cum
    ksup = jnp.sum(supp, axis=1).astype(jnp.int32)
    tau = (jnp.take_along_axis(cum, (ksup - 1)[:, None], axis=1)[:, 0] - 1.0) / ksup.astype(z.dtype)
    return jnp.maximum(z - tau[:, None], 0.0)


def _gcn(x, row, col, ew, W, b, n):
    xw = x @ W
    sl = jnp.arange(n, dtype=row.dtype)
    r = jnp.concatenate([row, sl])
    c = jnp.concatenate([col, sl])
    w = jnp.concatenate([ew, jnp.ones((n,), xw.dtype)])
    deg = jax.ops.segment_sum(w, r, num_segments=n)
    dinv = jnp.where(deg > 0, 1.0 / jnp.sqrt(deg), 0.0)
    norm = dinv[r] * w * dinv[c]
    return jax.ops.segment_sum(norm[:, None] * xw[c], r, num_segments=n) + b


def _seg_softmax(w, seg, n):
    m = jax.ops.segment_max(w, seg, num_segments=n)
    e = jnp.exp(w - m[seg])
    s = jax.ops.segment_sum(e, seg, num_segments=n)
    return e / s[seg]


def _forward(x, att1, W1, b1, att2, W2, b2, W3, b3, edge_index, batch, batch_inner, edge_hypernode):
    row, col = edge_index[0], edge_index[1]
    # Edgelayer inner: (cat([x[row], x[col]]) * att).sum(-1) == (x@att_l)[row] + (x@att_r)[col]
    al = x @ att1[0, :D]
    ar = x @ att1[0, D:]
    w = al[row] + ar[col]
    w = jnp.maximum(w, 0.0)  # leaky_relu with negative_slope=0
    attr = _sparsemax_rows(w.reshape(N, DEG)).reshape(-1)
    # zero-weight edges contribute nothing to weighted GCN (equivalent to dropping them)
    x1 = jax.nn.relu(_gcn(x, row, col, attr, W1, b1, N))
    # Nodefeature_pool: per-graph mean+max pooling onto 6 hypernodes
    xg = x1.reshape(B, NPG, NHID)

    def pool_one(g):
        s = jax.ops.segment_sum(g, batch_inner, num_segments=NH)
        cnt = jax.ops.segment_sum(jnp.ones((NPG,), g.dtype), batch_inner, num_segments=NH)
        mean = s / jnp.maximum(cnt, 1.0)[:, None]
        mx = jax.ops.segment_max(g, batch_inner, num_segments=NH)
        mx = jnp.where(cnt[:, None] > 0, mx, 0.0)
        return jnp.concatenate([mean, mx], axis=1)

    xh = jax.vmap(pool_one)(xg).reshape(HN, 2 * NHID)
    hrow, hcol = edge_hypernode[0], edge_hypernode[1]
    al2 = xh @ att2[0, :2 * NHID]
    ar2 = xh @ att2[0, 2 * NHID:]
    w2 = jax.nn.leaky_relu(al2[hrow] + ar2[hcol], 0.2)
    attr_h = _seg_softmax(w2, hrow, HN)  # softmax never zero -> no edges dropped
    h = jax.nn.relu(_gcn(xh, hrow, hcol, attr_h, W2, b2, HN))
    h = jax.nn.relu(_gcn(h, hrow, hcol, attr_h, W3, b3, HN))
    return h


def reference(x, edge_index, batch, batch_inner, edge_hypernode, att1, W1, b1, att2, W2, b2, W3, b3):
    h = _forward(x, att1, W1, b1, att2, W2, b2, W3, b3, edge_index, batch, batch_inner, edge_hypernode)
    batch_hyper = jnp.repeat(jnp.arange(B, dtype=jnp.int32), NH)
    return (h, batch_hyper)

if __name__ == "__main__":
    import jax
    _d = setup_inputs()
    print(jax.jit(kernel)(*tuple(_d.values())))

</pallas_src>

<mosaic_0001>
#map = affine_map<(d0, d1) -> (0, 0)>
#map1 = affine_map<(d0, d1) -> (0)>
module attributes {stable_mosaic.version = 14 : i64} {
  func.func @k(%arg0: i32, %arg1: i32, %arg2: memref<10240x256xf32, #tpu.memory_space<hbm>>, %arg3: memref<174080xi32, #tpu.memory_space<hbm>>, %arg4: memref<10240xf32, #tpu.memory_space<hbm>>, %arg5: memref<10240xf32, #tpu.memory_space<hbm>>, %arg6: memref<10240x256xf32, #tpu.memory_space<hbm>>, %arg7: memref<336xf32, #tpu.memory_space<vmem>>, %arg8: memref<5440xi32, #tpu.memory_space<vmem>>, %arg9: memref<5440xf32, #tpu.memory_space<vmem>>, %arg10: memref<136x256xf32, #tpu.memory_space<vmem>>, %arg11: memref<136x256xf32, #tpu.memory_space<vmem>>, %arg12: memref<8x256xf32, #tpu.memory_space<vmem>>, %arg13: memref<8x256xf32, #tpu.memory_space<vmem>>, %arg14: memref<!tpu.dma_semaphore, #tpu.memory_space<semaphore_mem>>, %arg15: memref<!tpu.dma_semaphore, #tpu.memory_space<semaphore_mem>>, %arg16: memref<!tpu.dma_semaphore, #tpu.memory_space<semaphore_mem>>, %arg17: memref<!tpu.dma_semaphore, #tpu.memory_space<semaphore_mem>>, %arg18: memref<!tpu.dma_semaphore, #tpu.memory_space<semaphore_mem>>) attributes {dimension_semantics = [#tpu.dimension_semantics<core_parallel>, #tpu.dimension_semantics<subcore_parallel>], iteration_bounds = array<i64: 2, 16>, scalar_prefetch = 0 : i64, scratch_operands = 12 : i64, tpu.core_type = #tpu.core_type<sc_vector_subcore>, window_params = [{transform_indices = #map}, {transform_indices = #map1}, {transform_indices = #map1}, {transform_indices = #map1}, {transform_indices = #map}]} {
    %mul3A = arith.constant 2 : i32
    %mul3A_0 = arith.muli %arg1, %mul3A : i32
    %add3A = arith.addi %mul3A_0, %arg0 : i32
    %mul3A_1 = arith.constant 320 : i32
    %mul3A_2 = arith.muli %add3A, %mul3A_1 : i32
    "tpu.region"() ({
      %run_scoped3A = tpu.sem_alloc : memref<!tpu.dma_semaphore, #tpu.memory_space<semaphore_mem>>
      %dma_start3A_24 = arith.constant 0 : i32
      %dma_start3A_25 = tpu.memref_slice %arg7[%dma_start3A_24] : memref<336xf32, #tpu.memory_space<vmem>> -> memref<320xf32, #tpu.memory_space<vmem>>
      %dma_start3A_26 = tpu.memref_slice %arg4[%mul3A_2] : memref<10240xf32, #tpu.memory_space<hbm>> -> memref<320xf32, #tpu.memory_space<hbm>>
      %dma_start3A_27 = arith.constant 0 : i32
      %dma_start3A_28 = tpu.memref_slice %arg7[%dma_start3A_27] : memref<336xf32, #tpu.memory_space<vmem>> -> memref<320xf32, #tpu.memory_space<vmem>>
      %dma_start3A_29 = tpu.memref_slice %arg4[%mul3A_2] : memref<10240xf32, #tpu.memory_space<hbm>> -> memref<320xf32, #tpu.memory_space<hbm>>
      tpu.enqueue_dma source(%dma_start3A_29 : memref<320xf32, #tpu.memory_space<hbm>>) target(%dma_start3A_28 : memref<320xf32, #tpu.memory_space<vmem>>) target_semaphore(%run_scoped3A : memref<!tpu.dma_semaphore, #tpu.memory_space<semaphore_mem>>)
      %dma_wait3A_30 = arith.constant 0 : i32
      %dma_wait3A_31 = tpu.memref_slice %arg7[%dma_wait3A_30] : memref<336xf32, #tpu.memory_space<vmem>> -> memref<320xf32, #tpu.memory_space<vmem>>
      %dma_wait3A_32 = tpu.memref_slice %arg4[%mul3A_2] : memref<10240xf32, #tpu.memory_space<hbm>> -> memref<320xf32, #tpu.memory_space<hbm>>
      %dma_wait3A_33 = arith.constant 0 : i32
      %dma_wait3A_34 = tpu.memref_slice %arg7[%dma_wait3A_33] : memref<336xf32, #tpu.memory_space<vmem>> -> memref<320xf32, #tpu.memory_space<vmem>>
      %dma_wait3A_35 = tpu.memref_slice %arg4[%mul3A_2] : memref<10240xf32, #tpu.memory_space<hbm>> -> memref<320xf32, #tpu.memory_space<hbm>>
      tpu.wait_dma2 semaphore(%run_scoped3A : memref<!tpu.dma_semaphore, #tpu.memory_space<semaphore_mem>>) src(%dma_wait3A_35 : memref<320xf32, #tpu.memory_space<hbm>>) dst(%dma_wait3A_34 : memref<320xf32, #tpu.memory_space<vmem>>)
      tpu.yield
    }) : () -> ()
    %mul3A_3 = arith.constant 17 : i32
    %mul3A_4 = arith.muli %mul3A_2, %mul3A_3 : i32
    "tpu.region"() ({
      %run_scoped3A = tpu.sem_alloc : memref<!tpu.dma_semaphore, #tpu.memory_space<semaphore_mem>>
      %dma_start3A_24 = tpu.memref_slice %arg3[%mul3A_4] : memref<174080xi32, #tpu.memory_space<hbm>> -> memref<5440xi32, #tpu.memory_space<hbm>>
      %dma_start3A_25 = tpu.memref_slice %arg3[%mul3A_4] : memref<174080xi32, #tpu.memory_space<hbm>> -> memref<5440xi32, #tpu.memory_space<hbm>>
      tpu.enqueue_dma source(%dma_start3A_25 : memref<5440xi32, #tpu.memory_space<hbm>>) target(%arg8 : memref<5440xi32, #tpu.memory_space<vmem>>) target_semaphore(%run_scoped3A : memref<!tpu.dma_semaphore, #tpu.memory_space<semaphore_mem>>)
      %dma_wait3A_26 = tpu.memref_slice %arg3[%mul3A_4] : memref<174080xi32, #tpu.memory_space<hbm>> -> memref<5440xi32, #tpu.memory_space<hbm>>
      %dma_wait3A_27 = tpu.memref_slice %arg3[%mul3A_4] : memref<174080xi32, #tpu.memory_space<hbm>> -> memref<5440xi32, #tpu.memory_space<hbm>>
      tpu.wait_dma2 semaphore(%run_scoped3A : memref<!tpu.dma_semaphore, #tpu.memory_space<semaphore_mem>>) src(%dma_wait3A_27 : memref<5440xi32, #tpu.memory_space<hbm>>) dst(%arg8 : memref<5440xi32, #tpu.memory_space<vmem>>)
      tpu.yield
    }) : () -> ()
    %dma_start3A = arith.constant 0 : i32
    %dma_start3A_5 = tpu.memref_slice %arg5[%dma_start3A] : memref<10240xf32, #tpu.memory_space<hbm>> -> memref<10240xf32, #tpu.memory_space<hbm>>
    tpu.enqueue_indirect_dma source(%dma_start3A_5 : memref<10240xf32, #tpu.memory_space<hbm>>) target(%arg9 : memref<5440xf32, #tpu.memory_space<vmem>>) offsets(%arg8 : memref<5440xi32, #tpu.memory_space<vmem>>) semaphore(%arg14 : memref<!tpu.dma_semaphore, #tpu.memory_space<semaphore_mem>>)
    %dma_wait3A = arith.constant 0 : i32
    %dma_wait3A_6 = tpu.memref_slice %arg5[%dma_wait3A] : memref<10240xf32, #tpu.memory_space<hbm>> -> memref<10240xf32, #tpu.memory_space<hbm>>
    tpu.wait_indirect_dma semaphore(%arg14 : memref<!tpu.dma_semaphore, #tpu.memory_space<semaphore_mem>>) src(%dma_wait3A_6 : memref<10240xf32, #tpu.memory_space<hbm>>) dst(%arg9 : memref<5440xf32, #tpu.memory_space<vmem>>)
    %scan3A = arith.constant 0 : i32
    %scan3A_7 = arith.constant 0 : i32
    %scan3A_8 = arith.constant 20 : i32
    %scan3A_9 = arith.addi %scan3A_7, %scan3A_8 : i32
    %scan3A_10 = arith.constant 1 : i32
    scf.for %scan3A_24 = %scan3A_7 to %scan3A_9 step %scan3A_10  : i32 {
      %mul3A_25 = arith.constant 2 : i32
      %mul3A_26 = arith.muli %scan3A_24, %mul3A_25 : i32
      %add3A_27 = arith.constant 0 : i32
      %add3A_28 = arith.addi %mul3A_26, %add3A_27 : i32
      %ge3A = arith.constant 2 : i32
      %ge3A_29 = arith.cmpi sge, %add3A_28, %ge3A : i32
      %convert_element_type3A = arith.extui %ge3A_29 : i1 to i32
      %cond3A = arith.constant 0 : i32
      %cond3A_30 = arith.cmpi ne, %convert_element_type3A, %cond3A : i32
      scf.if %cond3A_30 {
        %dma_wait3A_79 = arith.constant 0 : i32
        %dma_wait3A_80 = arith.constant 0 : i32
        %dma_wait3A_81 = tpu.memref_slice %arg6[%dma_wait3A_79, %dma_wait3A_80] : memref<10240x256xf32, #tpu.memory_space<hbm>> -> memref<8x256xf32, #tpu.memory_space<hbm>>
        %dma_wait3A_82 = arith.constant 0 : i32
        %dma_wait3A_83 = arith.constant 0 : i32
        %dma_wait3A_84 = tpu.memref_slice %arg6[%dma_wait3A_82, %dma_wait3A_83] : memref<10240x256xf32, #tpu.memory_space<hbm>> -> memref<8x256xf32, #tpu.memory_space<hbm>>
        tpu.wait_dma2 semaphore(%arg17 : memref<!tpu.dma_semaphore, #tpu.memory_space<semaphore_mem>>) src(%arg12 : memref<8x256xf32, #tpu.memory_space<vmem>>) dst(%dma_wait3A_84 : memref<8x256xf32, #tpu.memory_space<hbm>>)
      } else {
      }
      %scan3A_31 = arith.constant 0 : i32
      %scan3A_32 = arith.constant 0 : i32
      %scan3A_33 = arith.constant 8 : i32
      %scan3A_34 = arith.addi %scan3A_32, %scan3A_33 : i32
      %scan3A_35 = arith.constant 1 : i32
      scf.for %scan3A_79 = %scan3A_32 to %scan3A_34 step %scan3A_35  : i32 {
        %mul3A_80 = arith.constant 8 : i32
        %mul3A_81 = arith.muli %add3A_28, %mul3A_80 : i32
        %add3A_82 = arith.addi %mul3A_81, %scan3A_79 : i32
        %mul3A_83 = arith.constant 17 : i32
        %mul3A_84 = arith.muli %scan3A_79, %mul3A_83 : i32
        %mul3A_85 = arith.constant 17 : i32
        %mul3A_86 = arith.muli %add3A_82, %mul3A_85 : i32
        %get3A = arith.index_cast %mul3A_86 : i32 to index
        %get3A_87 = tpu.vector_load %arg9[%get3A] {strides = array<i32>} : memref<5440xf32, #tpu.memory_space<vmem>>, vector<16xf32>,
        %get3A_88 = vector.shape_cast %get3A_87 : vector<16xf32> to vector<16xf32>
        %mul3A_89 = arith.constant 0.000000e+00 : f32
        %mul3A_90 = vector.broadcast %mul3A_89 : f32 to vector<16xf32>
        %mul3A_91 = arith.mulf %get3A_88, %mul3A_90 : vector<16xf32>
        %get3A_92 = arith.index_cast %add3A_82 : i32 to index
        %get3A_93 = tpu.vector_load %arg7[%get3A_92] {strides = array<i32>} : memref<336xf32, #tpu.memory_space<vmem>>, vector<16xf32>,
        %get3A_94 = vector.shape_cast %get3A_93 : vector<16xf32> to vector<16xf32>
        %slice3A = vector.extract_strided_slice %get3A_94 {offsets = [0], sizes = [1], strides = [1]} : vector<16xf32> to vector<1xf32>
        %squeeze3A = vector.extract %slice3A[0] : f32 from vector<1xf32>
        %add3A_95 = vector.broadcast %squeeze3A : f32 to vector<16xf32>
        %add3A_96 = arith.addf %mul3A_91, %add3A_95 : vector<16xf32>
        %max3A = arith.constant 0.000000e+00 : f32
        %max3A_97 = vector.broadcast %max3A : f32 to vector<16xf32>
        %max3A_98 = arith.maximumf %add3A_96, %max3A_97 : vector<16xf32>
        %slice3A_99 = vector.extract_strided_slice %max3A_98 {offsets = [0], sizes = [1], strides = [1]} : vector<16xf32> to vector<1xf32>
        %squeeze3A_100 = vector.extract %slice3A_99[0] : f32 from vector<1xf32>
        %slice3A_101 = vector.extract_strided_slice %max3A_98 {offsets = [0], sizes = [1], strides = [1]} : vector<16xf32> to vector<1xf32>
        %squeeze3A_102 = vector.extract %slice3A_101[0] : f32 from vector<1xf32>
        %slice3A_103 = vector.extract_strided_slice %max3A_98 {offsets = [0], sizes = [1], strides = [1]} : vector<16xf32> to vector<1xf32>
        %squeeze3A_104 = vector.extract %slice3A_103[0] : f32 from vector<1xf32>
        %slice3A_105 = vector.extract_strided_slice %max3A_98 {offsets = [0], sizes = [1], strides = [1]} : vector<16xf32> to vector<1xf32>
        %squeeze3A_106 = vector.extract %slice3A_105[0] : f32 from vector<1xf32>
        %slice3A_107 = vector.extract_strided_slice %max3A_98 {offsets = [0], sizes = [1], strides = [1]} : vector<16xf32> to vector<1xf32>
        %squeeze3A_108 = vector.extract %slice3A_107[0] : f32 from vector<1xf32>
        %slice3A_109 = vector.extract_strided_slice %max3A_98 {offsets = [0], sizes = [1], strides = [1]} : vector<16xf32> to vector<1xf32>
        %squeeze3A_110 = vector.extract %slice3A_109[0] : f32 from vector<1xf32>
        %slice3A_111 = vector.extract_strided_slice %max3A_98 {offsets = [0], sizes = [1], strides = [1]} : vector<16xf32> to vector<1xf32>
        %squeeze3A_112 = vector.extract %slice3A_111[0] : f32 from vector<1xf32>
        %slice3A_113 = vector.extract_strided_slice %max3A_98 {offsets = [0], sizes = [1], strides = [1]} : vector<16xf32> to vector<1xf32>
        %squeeze3A_114 = vector.extract %slice3A_113[0] : f32 from vector<1xf32>
        %slice3A_115 = vector.extract_strided_slice %max3A_98 {offsets = [0], sizes = [1], strides = [1]} : vector<16xf32> to vector<1xf32>
        %squeeze3A_116 = vector.extract %slice3A_115[0] : f32 from vector<1xf32>
        %slice3A_117 = vector.extract_strided_slice %max3A_98 {offsets = [0], sizes = [1], strides = [1]} : vector<16xf32> to vector<1xf32>
        %squeeze3A_118 = vector.extract %slice3A_117[0] : f32 from vector<1xf32>
        %slice3A_119 = vector.extract_strided_slice %max3A_98 {offsets = [0], sizes = [1], strides = [1]} : vector<16xf32> to vector<1xf32>
        %squeeze3A_120 = vector.extract %slice3A_119[0] : f32 from vector<1xf32>
        %slice3A_121 = vector.extract_strided_slice %max3A_98 {offsets = [0], sizes = [1], strides = [1]} : vector<16xf32> to vector<1xf32>
        %squeeze3A_122 = vector.extract %slice3A_121[0] : f32 from vector<1xf32>
        %slice3A_123 = vector.extract_strided_slice %max3A_98 {offsets = [0], sizes = [1], strides = [1]} : vector<16xf32> to vector<1xf32>
        %squeeze3A_124 = vector.extract %slice3A_123[0] : f32 from vector<1xf32>
        %slice3A_125 = vector.extract_strided_slice %max3A_98 {offsets = [0], sizes = [1], strides = [1]} : vector<16xf32> to vector<1xf32>
        %squeeze3A_126 = vector.extract %slice3A_125[0] : f32 from vector<1xf32>
        %slice3A_127 = vector.extract_strided_slice %max3A_98 {offsets = [0], sizes = [1], strides = [1]} : vector<16xf32> to vector<1xf32>
        %squeeze3A_128 = vector.extract %slice3A_127[0] : f32 from vector<1xf32>
        %slice3A_129 = vector.extract_strided_slice %max3A_98 {offsets = [0], sizes = [1], strides = [1]} : vector<16xf32> to vector<1xf32>
        %squeeze3A_130 = vector.extract %slice3A_129[0] : f32 from vector<1xf32>
        %add3A_131 = arith.constant 16 : i32
        %add3A_132 = arith.addi %mul3A_84, %add3A_131 : i32
        %get3A_133 = arith.index_cast %add3A_132 : i32 to index
        %get3A_134 = arith.constant 0 : index
        %get3A_135 = tpu.vector_load %arg10[%get3A_133, %get3A_134] {strides = array<i32>} : memref<136x256xf32, #tpu.memory_space<vmem>>, vector<1x16xf32>,
        %get3A_136 = vector.shape_cast %get3A_135 : vector<1x16xf32> to vector<16xf32>
        %mul3A_137 = vector.broadcast %squeeze3A_100 : f32 to vector<16xf32>
        %mul3A_138 = arith.mulf %mul3A_137, %get3A_136 : vector<16xf32>
        %add3A_139 = arith.addf %get3A_136, %mul3A_138 : vector<16xf32>
        %swap3A = arith.index_cast %scan3A_79 : i32 to index
        %swap3A_140 = arith.constant 0 : index
        %swap3A_141 = tpu.vector_load %arg12[%swap3A, %swap3A_140] {strides = array<i32>} : memref<8x256xf32, #tpu.memory_space<vmem>>, vector<1x16xf32>,
        %swap3A_142 = vector.shape_cast %swap3A_141 : vector<1x16xf32> to vector<16xf32>
        %swap3A_143 = vector.shape_cast %add3A_139 : vector<16xf32> to vector<1x16xf32>
        tpu.vector_store %arg12[%swap3A, %swap3A_140], %swap3A_143 {strides = array<i32>} : memref<8x256xf32, #tpu.memory_space<vmem>>, vector<1x16xf32>,
        %add3A_144 = arith.constant 16 : i32
        %add3A_145 = arith.addi %mul3A_84, %add3A_144 : i32
        %get3A_146 = arith.index_cast %add3A_145 : i32 to index
        %get3A_147 = arith.constant 16 : index
        %get3A_148 = tpu.vector_load %arg10[%get3A_146, %get3A_147] {strides = array<i32>} : memref<136x256xf32, #tpu.memory_space<vmem>>, vector<1x16xf32>,
        %get3A_149 = vector.shape_cast %get3A_148 : vector<1x16xf32> to vector<16xf32>
        %mul3A_150 = vector.broadcast %squeeze3A_100 : f32 to vector<16xf32>
        %mul3A_151 = arith.mulf %mul3A_150, %get3A_149 : vector<16xf32>
        %add3A_152 = arith.addf %get3A_149, %mul3A_151 : vector<16xf32>
        %swap3A_153 = arith.index_cast %scan3A_79 : i32 to index
        %swap3A_154 = arith.constant 16 : index
        %swap3A_155 = tpu.vector_load %arg12[%swap3A_153, %swap3A_154] {strides = array<i32>} : memref<8x256xf32, #tpu.memory_space<vmem>>, vector<1x16xf32>,
        %swap3A_156 = vector.shape_cast %swap3A_155 : vector<1x16xf32> to vector<16xf32>
        %swap3A_157 = vector.shape_cast %add3A_152 : vector<16xf32> to vector<1x16xf32>
        tpu.vector_store %arg12[%swap3A_153, %swap3A_154], %swap3A_157 {strides = array<i32>} : memref<8x256xf32, #tpu.memory_space<vmem>>, vector<1x16xf32>,
        %add3A_158 = arith.constant 16 : i32
        %add3A_159 = arith.addi %mul3A_84, %add3A_158 : i32
        %get3A_160 = arith.index_cast %add3A_159 : i32 to index
        %get3A_161 = arith.constant 32 : index
        %get3A_162 = tpu.vector_load %arg10[%get3A_160, %get3A_161] {strides = array<i32>} : memref<136x256xf32, #tpu.memory_space<vmem>>, vector<1x16xf32>,
        %get3A_163 = vector.shape_cast %get3A_162 : vector<1x16xf32> to vector<16xf32>
        %mul3A_164 = vector.broadcast %squeeze3A_100 : f32 to vector<16xf32>
        %mul3A_165 = arith.mulf %mul3A_164, %get3A_163 : vector<16xf32>
        %add3A_166 = arith.addf %get3A_163, %mul3A_165 : vector<16xf32>
        %swap3A_167 = arith.index_cast %scan3A_79 : i32 to index
        %swap3A_168 = arith.constant 32 : index
        %swap3A_169 = tpu.vector_load %arg12[%swap3A_167, %swap3A_168] {strides = array<i32>} : memref<8x256xf32, #tpu.memory_space<vmem>>, vector<1x16xf32>,
        %swap3A_170 = vector.shape_cast %swap3A_169 : vector<1x16xf32> to vector<16xf32>
        %swap3A_171 = vector.shape_cast %add3A_166 : vector<16xf32> to vector<1x16xf32>
        tpu.vector_store %arg12[%swap3A_167, %swap3A_168], %swap3A_171 {strides = array<i32>} : memref<8x256xf32, #tpu.memory_space<vmem>>, vector<1x16xf32>,
        %add3A_172 = arith.constant 16 : i32
        %add3A_173 = arith.addi %mul3A_84, %add3A_172 : i32
        %get3A_174 = arith.index_cast %add3A_173 : i32 to index
        %get3A_175 = arith.constant 48 : index
        %get3A_176 = tpu.vector_load %arg10[%get3A_174, %get3A_175] {strides = array<i32>} : memref<136x256xf32, #tpu.memory_space<vmem>>, vector<1x16xf32>,
        %get3A_177 = vector.shape_cast %get3A_176 : vector<1x16xf32> to vector<16xf32>
        %mul3A_178 = vector.broadcast %squeeze3A_100 : f32 to vector<16xf32>
        %mul3A_179 = arith.mulf %mul3A_178, %get3A_177 : vector<16xf32>
        %add3A_180 = arith.addf %get3A_177, %mul3A_179 : vector<16xf32>
        %swap3A_181 = arith.index_cast %scan3A_79 : i32 to index
        %swap3A_182 = arith.constant 48 : index
        %swap3A_183 = tpu.vector_load %arg12[%swap3A_181, %swap3A_182] {strides = array<i32>} : memref<8x256xf32, #tpu.memory_space<vmem>>, vector<1x16xf32>,
        %swap3A_184 = vector.shape_cast %swap3A_183 : vector<1x16xf32> to vector<16xf32>
        %swap3A_185 = vector.shape_cast %add3A_180 : vector<16xf32> to vector<1x16xf32>
        tpu.vector_store %arg12[%swap3A_181, %swap3A_182], %swap3A_185 {strides = array<i32>} : memref<8x256xf32, #tpu.memory_space<vmem>>, vector<1x16xf32>,
        %add3A_186 = arith.constant 16 : i32
        %add3A_187 = arith.addi %mul3A_84, %add3A_186 : i32
        %get3A_188 = arith.index_cast %add3A_187 : i32 to index
        %get3A_189 = arith.constant 64 : index
        %get3A_190 = tpu.vector_load %arg10[%get3A_188, %get3A_189] {strides = array<i32>} : memref<136x256xf32, #tpu.memory_space<vmem>>, vector<1x16xf32>,
        %get3A_191 = vector.shape_cast %get3A_190 : vector<1x16xf32> to vector<16xf32>
        %mul3A_192 = vector.broadcast %squeeze3A_100 : f32 to vector<16xf32>
        %mul3A_193 = arith.mulf %mul3A_192, %get3A_191 : vector<16xf32>
        %add3A_194 = arith.addf %get3A_191, %mul3A_193 : vector<16xf32>
        %swap3A_195 = arith.index_cast %scan3A_79 : i32 to index
        %swap3A_196 = arith.constant 64 : index
        %swap3A_197 = tpu.vector_load %arg12[%swap3A_195, %swap3A_196] {strides = array<i32>} : memref<8x256xf32, #tpu.memory_space<vmem>>, vector<1x16xf32>,
        %swap3A_198 = vector.shape_cast %swap3A_197 : vector<1x16xf32> to vector<16xf32>
        %swap3A_199 = vector.shape_cast %add3A_194 : vector<16xf32> to vector<1x16xf32>
        tpu.vector_store %arg12[%swap3A_195, %swap3A_196], %swap3A_199 {strides = array<i32>} : memref<8x256xf32, #tpu.memory_space<vmem>>, vector<1x16xf32>,
        %add3A_200 = arith.constant 16 : i32
        %add3A_201 = arith.addi %mul3A_84, %add3A_200 : i32
        %get3A_202 = arith.index_cast %add3A_201 : i32 to index
        %get3A_203 = arith.constant 80 : index
        %get3A_204 = tpu.vector_load %arg10[%get3A_202, %get3A_203] {strides = array<i32>} : memref<136x256xf32, #tpu.memory_space<vmem>>, vector<1x16xf32>,
        %get3A_205 = vector.shape_cast %get3A_204 : vector<1x16xf32> to vector<16xf32>
        %mul3A_206 = vector.broadcast %squeeze3A_100 : f32 to vector<16xf32>
        %mul3A_207 = arith.mulf %mul3A_206, %get3A_205 : vector<16xf32>
        %add3A_208 = arith.addf %get3A_205, %mul3A_207 : vector<16xf32>
        %swap3A_209 = arith.index_cast %scan3A_79 : i32 to index
        %swap3A_210 = arith.constant 80 : index
        %swap3A_211 = tpu.vector_load %arg12[%swap3A_209, %swap3A_210] {strides = array<i32>} : memref<8x256xf32, #tpu.memory_space<vmem>>, vector<1x16xf32>,
        %swap3A_212 = vector.shape_cast %swap3A_211 : vector<1x16xf32> to vector<16xf32>
        %swap3A_213 = vector.shape_cast %add3A_208 : vector<16xf32> to vector<1x16xf32>
        tpu.vector_store %arg12[%swap3A_209, %swap3A_210], %swap3A_213 {strides = array<i32>} : memref<8x256xf32, #tpu.memory_space<vmem>>, vector<1x16xf32>,
        %add3A_214 = arith.constant 16 : i32
        %add3A_215 = arith.addi %mul3A_84, %add3A_214 : i32
        %get3A_216 = arith.index_cast %add3A_215 : i32 to index
        %get3A_217 = arith.constant 96 : index
        %get3A_218 = tpu.vector_load %arg10[%get3A_216, %get3A_217] {strides = array<i32>} : memref<136x256xf32, #tpu.memory_space<vmem>>, vector<1x16xf32>,
        %get3A_219 = vector.shape_cast %get3A_218 : vector<1x16xf32> to vector<16xf32>
        %mul3A_220 = vector.broadcast %squeeze3A_100 : f32 to vector<16xf32>
        %mul3A_221 = arith.mulf %mul3A_220, %get3A_219 : vector<16xf32>
        %add3A_222 = arith.addf %get3A_219, %mul3A_221 : vector<16xf32>
        %swap3A_223 = arith.index_cast %scan3A_79 : i32 to index
        %swap3A_224 = arith.constant 96 : index
        %swap3A_225 = tpu.vector_load %arg12[%swap3A_223, %swap3A_224] {strides = array<i32>} : memref<8x256xf32, #tpu.memory_space<vmem>>, vector<1x16xf32>,
        %swap3A_226 = vector.shape_cast %swap3A_225 : vector<1x16xf32> to vector<16xf32>
        %swap3A_227 = vector.shape_cast %add3A_222 : vector<16xf32> to vector<1x16xf32>
        tpu.vector_store %arg12[%swap3A_223, %swap3A_224], %swap3A_227 {strides = array<i32>} : memref<8x256xf32, #tpu.memory_space<vmem>>, vector<1x16xf32>,
        %add3A_228 = arith.constant 16 : i32
        %add3A_229 = arith.addi %mul3A_84, %add3A_228 : i32
        %get3A_230 = arith.index_cast %add3A_229 : i32 to index
        %get3A_231 = arith.constant 112 : index
        %get3A_232 = tpu.vector_load %arg10[%get3A_230, %get3A_231] {strides = array<i32>} : memref<136x256xf32, #tpu.memory_space<vmem>>, vector<1x16xf32>,
        %get3A_233 = vector.shape_cast %get3A_232 : vector<1x16xf32> to vector<16xf32>
        %mul3A_234 = vector.broadcast %squeeze3A_100 : f32 to vector<16xf32>
        %mul3A_235 = arith.mulf %mul3A_234, %get3A_233 : vector<16xf32>
        %add3A_236 = arith.addf %get3A_233, %mul3A_235 : vector<16xf32>
        %swap3A_237 = arith.index_cast %scan3A_79 : i32 to index
        %swap3A_238 = arith.constant 112 : index
        %swap3A_239 = tpu.vector_load %arg12[%swap3A_237, %swap3A_238] {strides = array<i32>} : memref<8x256xf32, #tpu.memory_space<vmem>>, vector<1x16xf32>,
        %swap3A_240 = vector.shape_cast %swap3A_239 : vector<1x16xf32> to vector<16xf32>
        %swap3A_241 = vector.shape_cast %add3A_236 : vector<16xf32> to vector<1x16xf32>
        tpu.vector_store %arg12[%swap3A_237, %swap3A_238], %swap3A_241 {strides = array<i32>} : memref<8x256xf32, #tpu.memory_space<vmem>>, vector<1x16xf32>,
        %add3A_242 = arith.constant 16 : i32
        %add3A_243 = arith.addi %mul3A_84, %add3A_242 : i32
        %get3A_244 = arith.index_cast %add3A_243 : i32 to index
        %get3A_245 = arith.constant 128 : index
        %get3A_246 = tpu.vector_load %arg10[%get3A_244, %get3A_245] {strides = array<i32>} : memref<136x256xf32, #tpu.memory_space<vmem>>, vector<1x16xf32>,
        %get3A_247 = vector.shape_cast %get3A_246 : vector<1x16xf32> to vector<16xf32>
        %mul3A_248 = vector.broadcast %squeeze3A_100 : f32 to vector<16xf32>
        %mul3A_249 = arith.mulf %mul3A_248, %get3A_247 : vector<16xf32>
        %add3A_250 = arith.addf %get3A_247, %mul3A_249 : vector<16xf32>
        %swap3A_251 = arith.index_cast %scan3A_79 : i32 to index
        %swap3A_252 = arith.constant 128 : index
        %swap3A_253 = tpu.vector_load %arg12[%swap3A_251, %swap3A_252] {strides = array<i32>} : memref<8x256xf32, #tpu.memory_space<vmem>>, vector<1x16xf32>,
        %swap3A_254 = vector.shape_cast %swap3A_253 : vector<1x16xf32> to vector<16xf32>
        %swap3A_255 = vector.shape_cast %add3A_250 : vector<16xf32> to vector<1x16xf32>
        tpu.vector_store %arg12[%swap3A_251, %swap3A_252], %swap3A_255 {strides = array<i32>} : memref<8x256xf32, #tpu.memory_space<vmem>>, vector<1x16xf32>,
        %add3A_256 = arith.constant 16 : i32
        %add3A_257 = arith.addi %mul3A_84, %add3A_256 : i32
        %get3A_258 = arith.index_cast %add3A_257 : i32 to index
        %get3A_259 = arith.constant 144 : index
        %get3A_260 = tpu.vector_load %arg10[%get3A_258, %get3A_259] {strides = array<i32>} : memref<136x256xf32, #tpu.memory_space<vmem>>, vector<1x16xf32>,
        %get3A_261 = vector.shape_cast %get3A_260 : vector<1x16xf32> to vector<16xf32>
        %mul3A_262 = vector.broadcast %squeeze3A_100 : f32 to vector<16xf32>
        %mul3A_263 = arith.mulf %mul3A_262, %get3A_261 : vector<16xf32>
        %add3A_264 = arith.addf %get3A_261, %mul3A_263 : vector<16xf32>
        %swap3A_265 = arith.index_cast %scan3A_79 : i32 to index
        %swap3A_266 = arith.constant 144 : index
        %swap3A_267 = tpu.vector_load %arg12[%swap3A_265, %swap3A_266] {strides = array<i32>} : memref<8x256xf32, #tpu.memory_space<vmem>>, vector<1x16xf32>,
        %swap3A_268 = vector.shape_cast %swap3A_267 : vector<1x16xf32> to vector<16xf32>
        %swap3A_269 = vector.shape_cast %add3A_264 : vector<16xf32> to vector<1x16xf32>
        tpu.vector_store %arg12[%swap3A_265, %swap3A_266], %swap3A_269 {strides = array<i32>} : memref<8x256xf32, #tpu.memory_space<vmem>>, vector<1x16xf32>,
        %add3A_270 = arith.constant 16 : i32
        %add3A_271 = arith.addi %mul3A_84, %add3A_270 : i32
        %get3A_272 = arith.index_cast %add3A_271 : i32 to index
        %get3A_273 = arith.constant 160 : index
        %get3A_274 = tpu.vector_load %arg10[%get3A_272, %get3A_273] {strides = array<i32>} : memref<136x256xf32, #tpu.memory_space<vmem>>, vector<1x16xf32>,
        %get3A_275 = vector.shape_cast %get3A_274 : vector<1x16xf32> to vector<16xf32>
        %mul3A_276 = vector.broadcast %squeeze3A_100 : f32 to vector<16xf32>
        %mul3A_277 = arith.mulf %mul3A_276, %get3A_275 : vector<16xf32>
        %add3A_278 = arith.addf %get3A_275, %mul3A_277 : vector<16xf32>
        %swap3A_279 = arith.index_cast %scan3A_79 : i32 to index
        %swap3A_280 = arith.constant 160 : index
        %swap3A_281 = tpu.vector_load %arg12[%swap3A_279, %swap3A_280] {strides = array<i32>} : memref<8x256xf32, #tpu.memory_space<vmem>>, vector<1x16xf32>,
        %swap3A_282 = vector.shape_cast %swap3A_281 : vector<1x16xf32> to vector<16xf32>
        %swap3A_283 = vector.shape_cast %add3A_278 : vector<16xf32> to vector<1x16xf32>
        tpu.vector_store %arg12[%swap3A_279, %swap3A_280], %swap3A_283 {strides = array<i32>} : memref<8x256xf32, #tpu.memory_space<vmem>>, vector<1x16xf32>,
        %add3A_284 = arith.constant 16 : i32
        %add3A_285 = arith.addi %mul3A_84, %add3A_284 : i32
        %get3A_286 = arith.index_cast %add3A_285 : i32 to index
        %get3A_287 = arith.constant 176 : index
        %get3A_288 = tpu.vector_load %arg10[%get3A_286, %get3A_287] {strides = array<i32>} : memref<136x256xf32, #tpu.memory_space<vmem>>, vector<1x16xf32>,
        %get3A_289 = vector.shape_cast %get3A_288 : vector<1x16xf32> to vector<16xf32>
        %mul3A_290 = vector.broadcast %squeeze3A_100 : f32 to vector<16xf32>
        %mul3A_291 = arith.mulf %mul3A_290, %get3A_289 : vector<16xf32>
        %add3A_292 = arith.addf %get3A_289, %mul3A_291 : vector<16xf32>
        %swap3A_293 = arith.index_cast %scan3A_79 : i32 to index
        %swap3A_294 = arith.constant 176 : index
        %swap3A_295 = tpu.vector_load %arg12[%swap3A_293, %swap3A_294] {strides = array<i32>} : memref<8x256xf32, #tpu.memory_space<vmem>>, vector<1x16xf32>,
        %swap3A_296 = vector.shape_cast %swap3A_295 : vector<1x16xf32> to vector<16xf32>
        %swap3A_297 = vector.shape_cast %add3A_292 : vector<16xf32> to vector<1x16xf32>
        tpu.vector_store %arg12[%swap3A_293, %swap3A_294], %swap3A_297 {strides = array<i32>} : memref<8x256xf32, #tpu.memory_space<vmem>>, vector<1x16xf32>,
        %add3A_298 = arith.constant 16 : i32
        %add3A_299 = arith.addi %mul3A_84, %add3A_298 : i32
        %get3A_300 = arith.index_cast %add3A_299 : i32 to index
        %get3A_301 = arith.constant 192 : index
        %get3A_302 = tpu.vector_load %arg10[%get3A_300, %get3A_301] {strides = array<i32>} : memref<136x256xf32, #tpu.memory_space<vmem>>, vector<1x16xf32>,
        %get3A_303 = vector.shape_cast %get3A_302 : vector<1x16xf32> to vector<16xf32>
        %mul3A_304 = vector.broadcast %squeeze3A_100 : f32 to vector<16xf32>
        %mul3A_305 = arith.mulf %mul3A_304, %get3A_303 : vector<16xf32>
        %add3A_306 = arith.addf %get3A_303, %mul3A_305 : vector<16xf32>
        %swap3A_307 = arith.index_cast %scan3A_79 : i32 to index
        %swap3A_308 = arith.constant 192 : index
        %swap3A_309 = tpu.vector_load %arg12[%swap3A_307, %swap3A_308] {strides = array<i32>} : memref<8x256xf32, #tpu.memory_space<vmem>>, vector<1x16xf32>,
        %swap3A_310 = vector.shape_cast %swap3A_309 : vector<1x16xf32> to vector<16xf32>
        %swap3A_311 = vector.shape_cast %add3A_306 : vector<16xf32> to vector<1x16xf32>
        tpu.vector_store %arg12[%swap3A_307, %swap3A_308], %swap3A_311 {strides = array<i32>} : memref<8x256xf32, #tpu.memory_space<vmem>>, vector<1x16xf32>,
        %add3A_312 = arith.constant 16 : i32
        %add3A_313 = arith.addi %mul3A_84, %add3A_312 : i32
        %get3A_314 = arith.index_cast %add3A_313 : i32 to index
        %get3A_315 = arith.constant 208 : index
        %get3A_316 = tpu.vector_load %arg10[%get3A_314, %get3A_315] {strides = array<i32>} : memref<136x256xf32, #tpu.memory_space<vmem>>, vector<1x16xf32>,
        %get3A_317 = vector.shape_cast %get3A_316 : vector<1x16xf32> to vector<16xf32>
        %mul3A_318 = vector.broadcast %squeeze3A_100 : f32 to vector<16xf32>
        %mul3A_319 = arith.mulf %mul3A_318, %get3A_317 : vector<16xf32>
        %add3A_320 = arith.addf %get3A_317, %mul3A_319 : vector<16xf32>
        %swap3A_321 = arith.index_cast %scan3A_79 : i32 to index
        %swap3A_322 = arith.constant 208 : index
        %swap3A_323 = tpu.vector_load %arg12[%swap3A_321, %swap3A_322] {strides = array<i32>} : memref<8x256xf32, #tpu.memory_space<vmem>>, vector<1x16xf32>,
        %swap3A_324 = vector.shape_cast %swap3A_323 : vector<1x16xf32> to vector<16xf32>
        %swap3A_325 = vector.shape_cast %add3A_320 : vector<16xf32> to vector<1x16xf32>
        tpu.vector_store %arg12[%swap3A_321, %swap3A_322], %swap3A_325 {strides = array<i32>} : memref<8x256xf32, #tpu.memory_space<vmem>>, vector<1x16xf32>,
        %add3A_326 = arith.constant 16 : i32
        %add3A_327 = arith.addi %mul3A_84, %add3A_326 : i32
        %get3A_328 = arith.index_cast %add3A_327 : i32 to index
        %get3A_329 = arith.constant 224 : index
        %get3A_330 = tpu.vector_load %arg10[%get3A_328, %get3A_329] {strides = array<i32>} : memref<136x256xf32, #tpu.memory_space<vmem>>, vector<1x16xf32>,
        %get3A_331 = vector.shape_cast %get3A_330 : vector<1x16xf32> to vector<16xf32>
        %mul3A_332 = vector.broadcast %squeeze3A_100 : f32 to vector<16xf32>
        %mul3A_333 = arith.mulf %mul3A_332, %get3A_331 : vector<16xf32>
        %add3A_334 = arith.addf %get3A_331, %mul3A_333 : vector<16xf32>
        %swap3A_335 = arith.index_cast %scan3A_79 : i32 to index
        %swap3A_336 = arith.constant 224 : index
        %swap3A_337 = tpu.vector_load %arg12[%swap3A_335, %swap3A_336] {strides = array<i32>} : memref<8x256xf32, #tpu.memory_space<vmem>>, vector<1x16xf32>,
        %swap3A_338 = vector.shape_cast %swap3A_337 : vector<1x16xf32> to vector<16xf32>
        %swap3A_339 = vector.shape_cast %add3A_334 : vector<16xf32> to vector<1x16xf32>
        tpu.vector_store %arg12[%swap3A_335, %swap3A_336], %swap3A_339 {strides = array<i32>} : memref<8x256xf32, #tpu.memory_space<vmem>>, vector<1x16xf32>,
        %add3A_340 = arith.constant 16 : i32
        %add3A_341 = arith.addi %mul3A_84, %add3A_340 : i32
        %get3A_342 = arith.index_cast %add3A_341 : i32 to index
        %get3A_343 = arith.constant 240 : index
        %get3A_344 = tpu.vector_load %arg10[%get3A_342, %get3A_343] {strides = array<i32>} : memref<136x256xf32, #tpu.memory_space<vmem>>, vector<1x16xf32>,
        %get3A_345 = vector.shape_cast %get3A_344 : vector<1x16xf32> to vector<16xf32>
        %mul3A_346 = vector.broadcast %squeeze3A_100 : f32 to vector<16xf32>
        %mul3A_347 = arith.mulf %mul3A_346, %get3A_345 : vector<16xf32>
        %add3A_348 = arith.addf %get3A_345, %mul3A_347 : vector<16xf32>
        %swap3A_349 = arith.index_cast %scan3A_79 : i32 to index
        %swap3A_350 = arith.constant 240 : index
        %swap3A_351 = tpu.vector_load %arg12[%swap3A_349, %swap3A_350] {strides = array<i32>} : memref<8x256xf32, #tpu.memory_space<vmem>>, vector<1x16xf32>,
        %swap3A_352 = vector.shape_cast %swap3A_351 : vector<1x16xf32> to vector<16xf32>
        %swap3A_353 = vector.shape_cast %add3A_348 : vector<16xf32> to vector<1x16xf32>
        tpu.vector_store %arg12[%swap3A_349, %swap3A_350], %swap3A_353 {strides = array<i32>} : memref<8x256xf32, #tpu.memory_space<vmem>>, vector<1x16xf32>,
      }
      %scan3A_36 = arith.constant 8 : i32
      %mul3A_37 = arith.constant 8 : i32
      %mul3A_38 = arith.muli %add3A_28, %mul3A_37 : i32
      %add3A_39 = arith.addi %mul3A_2, %mul3A_38 : i32
      %dma_start3A_40 = arith.constant 0 : i32
      %dma_start3A_41 = tpu.memref_slice %arg6[%add3A_39, %dma_start3A_40] : memref<10240x256xf32, #tpu.memory_space<hbm>> -> memref<8x256xf32, #tpu.memory_space<hbm>>
      %dma_start3A_42 = arith.constant 0 : i32
      %dma_start3A_43 = tpu.memref_slice %arg6[%add3A_39, %dma_start3A_42] : memref<10240x256xf32, #tpu.memory_space<hbm>> -> memref<8x256xf32, #tpu.memory_space<hbm>>
      tpu.enqueue_dma source(%arg12 : memref<8x256xf32, #tpu.memory_space<vmem>>) target(%dma_start3A_43 : memref<8x256xf32, #tpu.memory_space<hbm>>) target_semaphore(%arg17 : memref<!tpu.dma_semaphore, #tpu.memory_space<semaphore_mem>>)
      %add3A_44 = arith.constant 2 : i32
      %add3A_45 = arith.addi %add3A_28, %add3A_44 : i32
      %lt3A = arith.constant 40 : i32
      %lt3A_46 = arith.cmpi slt, %add3A_45, %lt3A : i32
      %convert_element_type3A_47 = arith.extui %lt3A_46 : i1 to i32
      %cond3A_48 = arith.constant 0 : i32
      %cond3A_49 = arith.cmpi ne, %convert_element_type3A_47, %cond3A_48 : i32
      scf.if %cond3A_49 {
        %add3A_79 = arith.constant 2 : i32
        %add3A_80 = arith.addi %add3A_28, %add3A_79 : i32
      } else {
      }
      %mul3A_50 = arith.constant 2 : i32
      %mul3A_51 = arith.muli %scan3A_24, %mul3A_50 : i32
      %add3A_52 = arith.constant 1 : i32
      %add3A_53 = arith.addi %mul3A_51, %add3A_52 : i32
      %ge3A_54 = arith.constant 2 : i32
      %ge3A_55 = arith.cmpi sge, %add3A_53, %ge3A_54 : i32
      %convert_element_type3A_56 = arith.extui %ge3A_55 : i1 to i32
      %cond3A_57 = arith.constant 0 : i32
      %cond3A_58 = arith.cmpi ne, %convert_element_type3A_56, %cond3A_57 : i32
      scf.if %cond3A_58 {
        %dma_wait3A_79 = arith.constant 0 : i32
        %dma_wait3A_80 = arith.constant 0 : i32
        %dma_wait3A_81 = tpu.memref_slice %arg6[%dma_wait3A_79, %dma_wait3A_80] : memref<10240x256xf32, #tpu.memory_space<hbm>> -> memref<8x256xf32, #tpu.memory_space<hbm>>
        %dma_wait3A_82 = arith.constant 0 : i32
        %dma_wait3A_83 = arith.constant 0 : i32
        %dma_wait3A_84 = tpu.memref_slice %arg6[%dma_wait3A_82, %dma_wait3A_83] : memref<10240x256xf32, #tpu.memory_space<hbm>> -> memref<8x256xf32, #tpu.memory_space<hbm>>
        tpu.wait_dma2 semaphore(%arg18 : memref<!tpu.dma_semaphore, #tpu.memory_space<semaphore_mem>>) src(%arg13 : memref<8x256xf32, #tpu.memory_space<vmem>>) dst(%dma_wait3A_84 : memref<8x256xf32, #tpu.memory_space<hbm>>)
      } else {
      }
      %scan3A_59 = arith.constant 0 : i32
      %scan3A_60 = arith.constant 0 : i32
      %scan3A_61 = arith.constant 8 : i32
      %scan3A_62 = arith.addi %scan3A_60, %scan3A_61 : i32
      %scan3A_63 = arith.constant 1 : i32
      scf.for %scan3A_79 = %scan3A_60 to %scan3A_62 step %scan3A_63  : i32 {
        %mul3A_80 = arith.constant 8 : i32
        %mul3A_81 = arith.muli %add3A_53, %mul3A_80 : i32
        %add3A_82 = arith.addi %mul3A_81, %scan3A_79 : i32
        %mul3A_83 = arith.constant 17 : i32
        %mul3A_84 = arith.muli %scan3A_79, %mul3A_83 : i32
        %mul3A_85 = arith.constant 17 : i32
        %mul3A_86 = arith.muli %add3A_82, %mul3A_85 : i32
        %get3A = arith.index_cast %mul3A_86 : i32 to index
        %get3A_87 = tpu.vector_load %arg9[%get3A] {strides = array<i32>} : memref<5440xf32, #tpu.memory_space<vmem>>, vector<16xf32>,
        %get3A_88 = vector.shape_cast %get3A_87 : vector<16xf32> to vector<16xf32>
        %mul3A_89 = arith.constant 0.000000e+00 : f32
        %mul3A_90 = vector.broadcast %mul3A_89 : f32 to vector<16xf32>
        %mul3A_91 = arith.mulf %get3A_88, %mul3A_90 : vector<16xf32>
        %get3A_92 = arith.index_cast %add3A_82 : i32 to index
        %get3A_93 = tpu.vector_load %arg7[%get3A_92] {strides = array<i32>} : memref<336xf32, #tpu.memory_space<vmem>>, vector<16xf32>,
        %get3A_94 = vector.shape_cast %get3A_93 : vector<16xf32> to vector<16xf32>
        %slice3A = vector.extract_strided_slice %get3A_94 {offsets = [0], sizes = [1], strides = [1]} : vector<16xf32> to vector<1xf32>
        %squeeze3A = vector.extract %slice3A[0] : f32 from vector<1xf32>
        %add3A_95 = vector.broadcast %squeeze3A : f32 to vector<16xf32>
        %add3A_96 = arith.addf %mul3A_91, %add3A_95 : vector<16xf32>
        %max3A = arith.constant 0.000000e+00 : f32
        %max3A_97 = vector.broadcast %max3A : f32 to vector<16xf32>
        %max3A_98 = arith.maximumf %add3A_96, %max3A_97 : vector<16xf32>
        %slice3A_99 = vector.extract_strided_slice %max3A_98 {offsets = [0], sizes = [1], strides = [1]} : vector<16xf32> to vector<1xf32>
        %squeeze3A_100 = vector.extract %slice3A_99[0] : f32 from vector<1xf32>
        %slice3A_101 = vector.extract_strided_slice %max3A_98 {offsets = [0], sizes = [1], strides = [1]} : vector<16xf32> to vector<1xf32>
        %squeeze3A_102 = vector.extract %slice3A_101[0] : f32 from vector<1xf32>
        %slice3A_103 = vector.extract_strided_slice %max3A_98 {offsets = [0], sizes = [1], strides = [1]} : vector<16xf32> to vector<1xf32>
        %squeeze3A_104 = vector.extract %slice3A_103[0] : f32 from vector<1xf32>
        %slice3A_105 = vector.extract_strided_slice %max3A_98 {offsets = [0], sizes = [1], strides = [1]} : vector<16xf32> to vector<1xf32>
        %squeeze3A_106 = vector.extract %slice3A_105[0] : f32 from vector<1xf32>
        %slice3A_107 = vector.extract_strided_slice %max3A_98 {offsets = [0], sizes = [1], strides = [1]} : vector<16xf32> to vector<1xf32>
        %squeeze3A_108 = vector.extract %slice3A_107[0] : f32 from vector<1xf32>
        %slice3A_109 = vector.extract_strided_slice %max3A_98 {offsets = [0], sizes = [1], strides = [1]} : vector<16xf32> to vector<1xf32>
        %squeeze3A_110 = vector.extract %slice3A_109[0] : f32 from vector<1xf32>
        %slice3A_111 = vector.extract_strided_slice %max3A_98 {offsets = [0], sizes = [1], strides = [1]} : vector<16xf32> to vector<1xf32>
        %squeeze3A_112 = vector.extract %slice3A_111[0] : f32 from vector<1xf32>
        %slice3A_113 = vector.extract_strided_slice %max3A_98 {offsets = [0], sizes = [1], strides = [1]} : vector<16xf32> to vector<1xf32>
        %squeeze3A_114 = vector.extract %slice3A_113[0] : f32 from vector<1xf32>
        %slice3A_115 = vector.extract_strided_slice %max3A_98 {offsets = [0], sizes = [1], strides = [1]} : vector<16xf32> to vector<1xf32>
        %squeeze3A_116 = vector.extract %slice3A_115[0] : f32 from vector<1xf32>
        %slice3A_117 = vector.extract_strided_slice %max3A_98 {offsets = [0], sizes = [1], strides = [1]} : vector<16xf32> to vector<1xf32>
        %squeeze3A_118 = vector.extract %slice3A_117[0] : f32 from vector<1xf32>
        %slice3A_119 = vector.extract_strided_slice %max3A_98 {offsets = [0], sizes = [1], strides = [1]} : vector<16xf32> to vector<1xf32>
        %squeeze3A_120 = vector.extract %slice3A_119[0] : f32 from vector<1xf32>
        %slice3A_121 = vector.extract_strided_slice %max3A_98 {offsets = [0], sizes = [1], strides = [1]} : vector<16xf32> to vector<1xf32>
        %squeeze3A_122 = vector.extract %slice3A_121[0] : f32 from vector<1xf32>
        %slice3A_123 = vector.extract_strided_slice %max3A_98 {offsets = [0], sizes = [1], strides = [1]} : vector<16xf32> to vector<1xf32>
        %squeeze3A_124 = vector.extract %slice3A_123[0] : f32 from vector<1xf32>
        %slice3A_125 = vector.extract_strided_slice %max3A_98 {offsets = [0], sizes = [1], strides = [1]} : vector<16xf32> to vector<1xf32>
        %squeeze3A_126 = vector.extract %slice3A_125[0] : f32 from vector<1xf32>
        %slice3A_127 = vector.extract_strided_slice %max3A_98 {offsets = [0], sizes = [1], strides = [1]} : vector<16xf32> to vector<1xf32>
        %squeeze3A_128 = vector.extract %slice3A_127[0] : f32 from vector<1xf32>
        %slice3A_129 = vector.extract_strided_slice %max3A_98 {offsets = [0], sizes = [1], strides = [1]} : vector<16xf32> to vector<1xf32>
        %squeeze3A_130 = vector.extract %slice3A_129[0] : f32 from vector<1xf32>
        %add3A_131 = arith.constant 16 : i32
        %add3A_132 = arith.addi %mul3A_84, %add3A_131 : i32
        %get3A_133 = arith.index_cast %add3A_132 : i32 to index
        %get3A_134 = arith.constant 0 : index
        %get3A_135 = tpu.vector_load %arg11[%get3A_133, %get3A_134] {strides = array<i32>} : memref<136x256xf32, #tpu.memory_space<vmem>>, vector<1x16xf32>,
        %get3A_136 = vector.shape_cast %get3A_135 : vector<1x16xf32> to vector<16xf32>
        %mul3A_137 = vector.broadcast %squeeze3A_100 : f32 to vector<16xf32>
        %mul3A_138 = arith.mulf %mul3A_137, %get3A_136 : vector<16xf32>
        %add3A_139 = arith.addf %get3A_136, %mul3A_138 : vector<16xf32>
        %swap3A = arith.index_cast %scan3A_79 : i32 to index
        %swap3A_140 = arith.constant 0 : index
        %swap3A_141 = tpu.vector_load %arg13[%swap3A, %swap3A_140] {strides = array<i32>} : memref<8x256xf32, #tpu.memory_space<vmem>>, vector<1x16xf32>,
        %swap3A_142 = vector.shape_cast %swap3A_141 : vector<1x16xf32> to vector<16xf32>
        %swap3A_143 = vector.shape_cast %add3A_139 : vector<16xf32> to vector<1x16xf32>
        tpu.vector_store %arg13[%swap3A, %swap3A_140], %swap3A_143 {strides = array<i32>} : memref<8x256xf32, #tpu.memory_space<vmem>>, vector<1x16xf32>,
        %add3A_144 = arith.constant 16 : i32
        %add3A_145 = arith.addi %mul3A_84, %add3A_144 : i32
        %get3A_146 = arith.index_cast %add3A_145 : i32 to index
        %get3A_147 = arith.constant 16 : index
        %get3A_148 = tpu.vector_load %arg11[%get3A_146, %get3A_147] {strides = array<i32>} : memref<136x256xf32, #tpu.memory_space<vmem>>, vector<1x16xf32>,
        %get3A_149 = vector.shape_cast %get3A_148 : vector<1x16xf32> to vector<16xf32>
        %mul3A_150 = vector.broadcast %squeeze3A_100 : f32 to vector<16xf32>
        %mul3A_151 = arith.mulf %mul3A_150, %get3A_149 : vector<16xf32>
        %add3A_152 = arith.addf %get3A_149, %mul3A_151 : vector<16xf32>
        %swap3A_153 = arith.index_cast %scan3A_79 : i32 to index
        %swap3A_154 = arith.constant 16 : index
        %swap3A_155 = tpu.vector_load %arg13[%swap3A_153, %swap3A_154] {strides = array<i32>} : memref<8x256xf32, #tpu.memory_space<vmem>>, vector<1x16xf32>,
        %swap3A_156 = vector.shape_cast %swap3A_155 : vector<1x16xf32> to vector<16xf32>
        %swap3A_157 = vector.shape_cast %add3A_152 : vector<16xf32> to vector<1x16xf32>
        tpu.vector_store %arg13[%swap3A_153, %swap3A_154], %swap3A_157 {strides = array<i32>} : memref<8x256xf32, #tpu.memory_space<vmem>>, vector<1x16xf32>,
        %add3A_158 = arith.constant 16 : i32
        %add3A_159 = arith.addi %mul3A_84, %add3A_158 : i32
        %get3A_160 = arith.index_cast %add3A_159 : i32 to index
        %get3A_161 = arith.constant 32 : index
        %get3A_162 = tpu.vector_load %arg11[%get3A_160, %get3A_161] {strides = array<i32>} : memref<136x256xf32, #tpu.memory_space<vmem>>, vector<1x16xf32>,
        %get3A_163 = vector.shape_cast %get3A_162 : vector<1x16xf32> to vector<16xf32>
        %mul3A_164 = vector.broadcast %squeeze3A_100 : f32 to vector<16xf32>
        %mul3A_165 = arith.mulf %mul3A_164, %get3A_163 : vector<16xf32>
        %add3A_166 = arith.addf %get3A_163, %mul3A_165 : vector<16xf32>
        %swap3A_167 = arith.index_cast %scan3A_79 : i32 to index
        %swap3A_168 = arith.constant 32 : index
        %swap3A_169 = tpu.vector_load %arg13[%swap3A_167, %swap3A_168] {strides = array<i32>} : memref<8x256xf32, #tpu.memory_space<vmem>>, vector<1x16xf32>,
        %swap3A_170 = vector.shape_cast %swap3A_169 : vector<1x16xf32> to vector<16xf32>
        %swap3A_171 = vector.shape_cast %add3A_166 : vector<16xf32> to vector<1x16xf32>
        tpu.vector_store %arg13[%swap3A_167, %swap3A_168], %swap3A_171 {strides = array<i32>} : memref<8x256xf32, #tpu.memory_space<vmem>>, vector<1x16xf32>,
        %add3A_172 = arith.constant 16 : i32
        %add3A_173 = arith.addi %mul3A_84, %add3A_172 : i32
        %get3A_174 = arith.index_cast %add3A_173 : i32 to index
        %get3A_175 = arith.constant 48 : index
        %get3A_176 = tpu.vector_load %arg11[%get3A_174, %get3A_175] {strides = array<i32>} : memref<136x256xf32, #tpu.memory_space<vmem>>, vector<1x16xf32>,
        %get3A_177 = vector.shape_cast %get3A_176 : vector<1x16xf32> to vector<16xf32>
        %mul3A_178 = vector.broadcast %squeeze3A_100 : f32 to vector<16xf32>
        %mul3A_179 = arith.mulf %mul3A_178, %get3A_177 : vector<16xf32>
        %add3A_180 = arith.addf %get3A_177, %mul3A_179 : vector<16xf32>
        %swap3A_181 = arith.index_cast %scan3A_79 : i32 to index
        %swap3A_182 = arith.constant 48 : index
        %swap3A_183 = tpu.vector_load %arg13[%swap3A_181, %swap3A_182] {strides = array<i32>} : memref<8x256xf32, #tpu.memory_space<vmem>>, vector<1x16xf32>,
        %swap3A_184 = vector.shape_cast %swap3A_183 : vector<1x16xf32> to vector<16xf32>
        %swap3A_185 = vector.shape_cast %add3A_180 : vector<16xf32> to vector<1x16xf32>
        tpu.vector_store %arg13[%swap3A_181, %swap3A_182], %swap3A_185 {strides = array<i32>} : memref<8x256xf32, #tpu.memory_space<vmem>>, vector<1x16xf32>,
        %add3A_186 = arith.constant 16 : i32
        %add3A_187 = arith.addi %mul3A_84, %add3A_186 : i32
        %get3A_188 = arith.index_cast %add3A_187 : i32 to index
        %get3A_189 = arith.constant 64 : index
        %get3A_190 = tpu.vector_load %arg11[%get3A_188, %get3A_189] {strides = array<i32>} : memref<136x256xf32, #tpu.memory_space<vmem>>, vector<1x16xf32>,
        %get3A_191 = vector.shape_cast %get3A_190 : vector<1x16xf32> to vector<16xf32>
        %mul3A_192 = vector.broadcast %squeeze3A_100 : f32 to vector<16xf32>
        %mul3A_193 = arith.mulf %mul3A_192, %get3A_191 : vector<16xf32>
        %add3A_194 = arith.addf %get3A_191, %mul3A_193 : vector<16xf32>
        %swap3A_195 = arith.index_cast %scan3A_79 : i32 to index
        %swap3A_196 = arith.constant 64 : index
        %swap3A_197 = tpu.vector_load %arg13[%swap3A_195, %swap3A_196] {strides = array<i32>} : memref<8x256xf32, #tpu.memory_space<vmem>>, vector<1x16xf32>,
        %swap3A_198 = vector.shape_cast %swap3A_197 : vector<1x16xf32> to vector<16xf32>
        %swap3A_199 = vector.shape_cast %add3A_194 : vector<16xf32> to vector<1x16xf32>
        tpu.vector_store %arg13[%swap3A_195, %swap3A_196], %swap3A_199 {strides = array<i32>} : memref<8x256xf32, #tpu.memory_space<vmem>>, vector<1x16xf32>,
        %add3A_200 = arith.constant 16 : i32
        %add3A_201 = arith.addi %mul3A_84, %add3A_200 : i32
        %get3A_202 = arith.index_cast %add3A_201 : i32 to index
        %get3A_203 = arith.constant 80 : index
        %get3A_204 = tpu.vector_load %arg11[%get3A_202, %get3A_203] {strides = array<i32>} : memref<136x256xf32, #tpu.memory_space<vmem>>, vector<1x16xf32>,
        %get3A_205 = vector.shape_cast %get3A_204 : vector<1x16xf32> to vector<16xf32>
        %mul3A_206 = vector.broadcast %squeeze3A_100 : f32 to vector<16xf32>
        %mul3A_207 = arith.mulf %mul3A_206, %get3A_205 : vector<16xf32>
        %add3A_208 = arith.addf %get3A_205, %mul3A_207 : vector<16xf32>
        %swap3A_209 = arith.index_cast %scan3A_79 : i32 to index
        %swap3A_210 = arith.constant 80 : index
        %swap3A_211 = tpu.vector_load %arg13[%swap3A_209, %swap3A_210] {strides = array<i32>} : memref<8x256xf32, #tpu.memory_space<vmem>>, vector<1x16xf32>,
        %swap3A_212 = vector.shape_cast %swap3A_211 : vector<1x16xf32> to vector<16xf32>
        %swap3A_213 = vector.shape_cast %add3A_208 : vector<16xf32> to vector<1x16xf32>
        tpu.vector_store %arg13[%swap3A_209, %swap3A_210], %swap3A_213 {strides = array<i32>} : memref<8x256xf32, #tpu.memory_space<vmem>>, vector<1x16xf32>,
        %add3A_214 = arith.constant 16 : i32
        %add3A_215 = arith.addi %mul3A_84, %add3A_214 : i32
        %get3A_216 = arith.index_cast %add3A_215 : i32 to index
        %get3A_217 = arith.constant 96 : index
        %get3A_218 = tpu.vector_load %arg11[%get3A_216, %get3A_217] {strides = array<i32>} : memref<136x256xf32, #tpu.memory_space<vmem>>, vector<1x16xf32>,
        %get3A_219 = vector.shape_cast %get3A_218 : vector<1x16xf32> to vector<16xf32>
        %mul3A_220 = vector.broadcast %squeeze3A_100 : f32 to vector<16xf32>
        %mul3A_221 = arith.mulf %mul3A_220, %get3A_219 : vector<16xf32>
        %add3A_222 = arith.addf %get3A_219, %mul3A_221 : vector<16xf32>
        %swap3A_223 = arith.index_cast %scan3A_79 : i32 to index
        %swap3A_224 = arith.constant 96 : index
        %swap3A_225 = tpu.vector_load %arg13[%swap3A_223, %swap3A_224] {strides = array<i32>} : memref<8x256xf32, #tpu.memory_space<vmem>>, vector<1x16xf32>,
        %swap3A_226 = vector.shape_cast %swap3A_225 : vector<1x16xf32> to vector<16xf32>
        %swap3A_227 = vector.shape_cast %add3A_222 : vector<16xf32> to vector<1x16xf32>
        tpu.vector_store %arg13[%swap3A_223, %swap3A_224], %swap3A_227 {strides = array<i32>} : memref<8x256xf32, #tpu.memory_space<vmem>>, vector<1x16xf32>,
        %add3A_228 = arith.constant 16 : i32
        %add3A_229 = arith.addi %mul3A_84, %add3A_228 : i32
        %get3A_230 = arith.index_cast %add3A_229 : i32 to index
        %get3A_231 = arith.constant 112 : index
        %get3A_232 = tpu.vector_load %arg11[%get3A_230, %get3A_231] {strides = array<i32>} : memref<136x256xf32, #tpu.memory_space<vmem>>, vector<1x16xf32>,
        %get3A_233 = vector.shape_cast %get3A_232 : vector<1x16xf32> to vector<16xf32>
        %mul3A_234 = vector.broadcast %squeeze3A_100 : f32 to vector<16xf32>
        %mul3A_235 = arith.mulf %mul3A_234, %get3A_233 : vector<16xf32>
        %add3A_236 = arith.addf %get3A_233, %mul3A_235 : vector<16xf32>
        %swap3A_237 = arith.index_cast %scan3A_79 : i32 to index
        %swap3A_238 = arith.constant 112 : index
        %swap3A_239 = tpu.vector_load %arg13[%swap3A_237, %swap3A_238] {strides = array<i32>} : memref<8x256xf32, #tpu.memory_space<vmem>>, vector<1x16xf32>,
        %swap3A_240 = vector.shape_cast %swap3A_239 : vector<1x16xf32> to vector<16xf32>
        %swap3A_241 = vector.shape_cast %add3A_236 : vector<16xf32> to vector<1x16xf32>
        tpu.vector_store %arg13[%swap3A_237, %swap3A_238], %swap3A_241 {strides = array<i32>} : memref<8x256xf32, #tpu.memory_space<vmem>>, vector<1x16xf32>,
        %add3A_242 = arith.constant 16 : i32
        %add3A_243 = arith.addi %mul3A_84, %add3A_242 : i32
        %get3A_244 = arith.index_cast %add3A_243 : i32 to index
        %get3A_245 = arith.constant 128 : index
        %get3A_246 = tpu.vector_load %arg11[%get3A_244, %get3A_245] {strides = array<i32>} : memref<136x256xf32, #tpu.memory_space<vmem>>, vector<1x16xf32>,
        %get3A_247 = vector.shape_cast %get3A_246 : vector<1x16xf32> to vector<16xf32>
        %mul3A_248 = vector.broadcast %squeeze3A_100 : f32 to vector<16xf32>
        %mul3A_249 = arith.mulf %mul3A_248, %get3A_247 : vector<16xf32>
        %add3A_250 = arith.addf %get3A_247, %mul3A_249 : vector<16xf32>
        %swap3A_251 = arith.index_cast %scan3A_79 : i32 to index
        %swap3A_252 = arith.constant 128 : index
        %swap3A_253 = tpu.vector_load %arg13[%swap3A_251, %swap3A_252] {strides = array<i32>} : memref<8x256xf32, #tpu.memory_space<vmem>>, vector<1x16xf32>,
        %swap3A_254 = vector.shape_cast %swap3A_253 : vector<1x16xf32> to vector<16xf32>
        %swap3A_255 = vector.shape_cast %add3A_250 : vector<16xf32> to vector<1x16xf32>
        tpu.vector_store %arg13[%swap3A_251, %swap3A_252], %swap3A_255 {strides = array<i32>} : memref<8x256xf32, #tpu.memory_space<vmem>>, vector<1x16xf32>,
        %add3A_256 = arith.constant 16 : i32
        %add3A_257 = arith.addi %mul3A_84, %add3A_256 : i32
        %get3A_258 = arith.index_cast %add3A_257 : i32 to index
        %get3A_259 = arith.constant 144 : index
        %get3A_260 = tpu.vector_load %arg11[%get3A_258, %get3A_259] {strides = array<i32>} : memref<136x256xf32, #tpu.memory_space<vmem>>, vector<1x16xf32>,
        %get3A_261 = vector.shape_cast %get3A_260 : vector<1x16xf32> to vector<16xf32>
        %mul3A_262 = vector.broadcast %squeeze3A_100 : f32 to vector<16xf32>
        %mul3A_263 = arith.mulf %mul3A_262, %get3A_261 : vector<16xf32>
        %add3A_264 = arith.addf %get3A_261, %mul3A_263 : vector<16xf32>
        %swap3A_265 = arith.index_cast %scan3A_79 : i32 to index
        %swap3A_266 = arith.constant 144 : index
        %swap3A_267 = tpu.vector_load %arg13[%swap3A_265, %swap3A_266] {strides = array<i32>} : memref<8x256xf32, #tpu.memory_space<vmem>>, vector<1x16xf32>,
        %swap3A_268 = vector.shape_cast %swap3A_267 : vector<1x16xf32> to vector<16xf32>
        %swap3A_269 = vector.shape_cast %add3A_264 : vector<16xf32> to vector<1x16xf32>
        tpu.vector_store %arg13[%swap3A_265, %swap3A_266], %swap3A_269 {strides = array<i32>} : memref<8x256xf32, #tpu.memory_space<vmem>>, vector<1x16xf32>,
        %add3A_270 = arith.constant 16 : i32
        %add3A_271 = arith.addi %mul3A_84, %add3A_270 : i32
        %get3A_272 = arith.index_cast %add3A_271 : i32 to index
        %get3A_273 = arith.constant 160 : index
        %get3A_274 = tpu.vector_load %arg11[%get3A_272, %get3A_273] {strides = array<i32>} : memref<136x256xf32, #tpu.memory_space<vmem>>, vector<1x16xf32>,
        %get3A_275 = vector.shape_cast %get3A_274 : vector<1x16xf32> to vector<16xf32>
        %mul3A_276 = vector.broadcast %squeeze3A_100 : f32 to vector<16xf32>
        %mul3A_277 = arith.mulf %mul3A_276, %get3A_275 : vector<16xf32>
        %add3A_278 = arith.addf %get3A_275, %mul3A_277 : vector<16xf32>
        %swap3A_279 = arith.index_cast %scan3A_79 : i32 to index
        %swap3A_280 = arith.constant 160 : index
        %swap3A_281 = tpu.vector_load %arg13[%swap3A_279, %swap3A_280] {strides = array<i32>} : memref<8x256xf32, #tpu.memory_space<vmem>>, vector<1x16xf32>,
        %swap3A_282 = vector.shape_cast %swap3A_281 : vector<1x16xf32> to vector<16xf32>
        %swap3A_283 = vector.shape_cast %add3A_278 : vector<16xf32> to vector<1x16xf32>
        tpu.vector_store %arg13[%swap3A_279, %swap3A_280], %swap3A_283 {strides = array<i32>} : memref<8x256xf32, #tpu.memory_space<vmem>>, vector<1x16xf32>,
        %add3A_284 = arith.constant 16 : i32
        %add3A_285 = arith.addi %mul3A_84, %add3A_284 : i32
        %get3A_286 = arith.index_cast %add3A_285 : i32 to index
        %get3A_287 = arith.constant 176 : index
        %get3A_288 = tpu.vector_load %arg11[%get3A_286, %get3A_287] {strides = array<i32>} : memref<136x256xf32, #tpu.memory_space<vmem>>, vector<1x16xf32>,
        %get3A_289 = vector.shape_cast %get3A_288 : vector<1x16xf32> to vector<16xf32>
        %mul3A_290 = vector.broadcast %squeeze3A_100 : f32 to vector<16xf32>
        %mul3A_291 = arith.mulf %mul3A_290, %get3A_289 : vector<16xf32>
        %add3A_292 = arith.addf %get3A_289, %mul3A_291 : vector<16xf32>
        %swap3A_293 = arith.index_cast %scan3A_79 : i32 to index
        %swap3A_294 = arith.constant 176 : index
        %swap3A_295 = tpu.vector_load %arg13[%swap3A_293, %swap3A_294] {strides = array<i32>} : memref<8x256xf32, #tpu.memory_space<vmem>>, vector<1x16xf32>,
        %swap3A_296 = vector.shape_cast %swap3A_295 : vector<1x16xf32> to vector<16xf32>
        %swap3A_297 = vector.shape_cast %add3A_292 : vector<16xf32> to vector<1x16xf32>
        tpu.vector_store %arg13[%swap3A_293, %swap3A_294], %swap3A_297 {strides = array<i32>} : memref<8x256xf32, #tpu.memory_space<vmem>>, vector<1x16xf32>,
        %add3A_298 = arith.constant 16 : i32
        %add3A_299 = arith.addi %mul3A_84, %add3A_298 : i32
        %get3A_300 = arith.index_cast %add3A_299 : i32 to index
        %get3A_301 = arith.constant 192 : index
        %get3A_302 = tpu.vector_load %arg11[%get3A_300, %get3A_301] {strides = array<i32>} : memref<136x256xf32, #tpu.memory_space<vmem>>, vector<1x16xf32>,
        %get3A_303 = vector.shape_cast %get3A_302 : vector<1x16xf32> to vector<16xf32>
        %mul3A_304 = vector.broadcast %squeeze3A_100 : f32 to vector<16xf32>
        %mul3A_305 = arith.mulf %mul3A_304, %get3A_303 : vector<16xf32>
        %add3A_306 = arith.addf %get3A_303, %mul3A_305 : vector<16xf32>
        %swap3A_307 = arith.index_cast %scan3A_79 : i32 to index
        %swap3A_308 = arith.constant 192 : index
        %swap3A_309 = tpu.vector_load %arg13[%swap3A_307, %swap3A_308] {strides = array<i32>} : memref<8x256xf32, #tpu.memory_space<vmem>>, vector<1x16xf32>,
        %swap3A_310 = vector.shape_cast %swap3A_309 : vector<1x16xf32> to vector<16xf32>
        %swap3A_311 = vector.shape_cast %add3A_306 : vector<16xf32> to vector<1x16xf32>
        tpu.vector_store %arg13[%swap3A_307, %swap3A_308], %swap3A_311 {strides = array<i32>} : memref<8x256xf32, #tpu.memory_space<vmem>>, vector<1x16xf32>,
        %add3A_312 = arith.constant 16 : i32
        %add3A_313 = arith.addi %mul3A_84, %add3A_312 : i32
        %get3A_314 = arith.index_cast %add3A_313 : i32 to index
        %get3A_315 = arith.constant 208 : index
        %get3A_316 = tpu.vector_load %arg11[%get3A_314, %get3A_315] {strides = array<i32>} : memref<136x256xf32, #tpu.memory_space<vmem>>, vector<1x16xf32>,
        %get3A_317 = vector.shape_cast %get3A_316 : vector<1x16xf32> to vector<16xf32>
        %mul3A_318 = vector.broadcast %squeeze3A_100 : f32 to vector<16xf32>
        %mul3A_319 = arith.mulf %mul3A_318, %get3A_317 : vector<16xf32>
        %add3A_320 = arith.addf %get3A_317, %mul3A_319 : vector<16xf32>
        %swap3A_321 = arith.index_cast %scan3A_79 : i32 to index
        %swap3A_322 = arith.constant 208 : index
        %swap3A_323 = tpu.vector_load %arg13[%swap3A_321, %swap3A_322] {strides = array<i32>} : memref<8x256xf32, #tpu.memory_space<vmem>>, vector<1x16xf32>,
        %swap3A_324 = vector.shape_cast %swap3A_323 : vector<1x16xf32> to vector<16xf32>
        %swap3A_325 = vector.shape_cast %add3A_320 : vector<16xf32> to vector<1x16xf32>
        tpu.vector_store %arg13[%swap3A_321, %swap3A_322], %swap3A_325 {strides = array<i32>} : memref<8x256xf32, #tpu.memory_space<vmem>>, vector<1x16xf32>,
        %add3A_326 = arith.constant 16 : i32
        %add3A_327 = arith.addi %mul3A_84, %add3A_326 : i32
        %get3A_328 = arith.index_cast %add3A_327 : i32 to index
        %get3A_329 = arith.constant 224 : index
        %get3A_330 = tpu.vector_load %arg11[%get3A_328, %get3A_329] {strides = array<i32>} : memref<136x256xf32, #tpu.memory_space<vmem>>, vector<1x16xf32>,
        %get3A_331 = vector.shape_cast %get3A_330 : vector<1x16xf32> to vector<16xf32>
        %mul3A_332 = vector.broadcast %squeeze3A_100 : f32 to vector<16xf32>
        %mul3A_333 = arith.mulf %mul3A_332, %get3A_331 : vector<16xf32>
        %add3A_334 = arith.addf %get3A_331, %mul3A_333 : vector<16xf32>
        %swap3A_335 = arith.index_cast %scan3A_79 : i32 to index
        %swap3A_336 = arith.constant 224 : index
        %swap3A_337 = tpu.vector_load %arg13[%swap3A_335, %swap3A_336] {strides = array<i32>} : memref<8x256xf32, #tpu.memory_space<vmem>>, vector<1x16xf32>,
        %swap3A_338 = vector.shape_cast %swap3A_337 : vector<1x16xf32> to vector<16xf32>
        %swap3A_339 = vector.shape_cast %add3A_334 : vector<16xf32> to vector<1x16xf32>
        tpu.vector_store %arg13[%swap3A_335, %swap3A_336], %swap3A_339 {strides = array<i32>} : memref<8x256xf32, #tpu.memory_space<vmem>>, vector<1x16xf32>,
        %add3A_340 = arith.constant 16 : i32
        %add3A_341 = arith.addi %mul3A_84, %add3A_340 : i32
        %get3A_342 = arith.index_cast %add3A_341 : i32 to index
        %get3A_343 = arith.constant 240 : index
        %get3A_344 = tpu.vector_load %arg11[%get3A_342, %get3A_343] {strides = array<i32>} : memref<136x256xf32, #tpu.memory_space<vmem>>, vector<1x16xf32>,
        %get3A_345 = vector.shape_cast %get3A_344 : vector<1x16xf32> to vector<16xf32>
        %mul3A_346 = vector.broadcast %squeeze3A_100 : f32 to vector<16xf32>
        %mul3A_347 = arith.mulf %mul3A_346, %get3A_345 : vector<16xf32>
        %add3A_348 = arith.addf %get3A_345, %mul3A_347 : vector<16xf32>
        %swap3A_349 = arith.index_cast %scan3A_79 : i32 to index
        %swap3A_350 = arith.constant 240 : index
        %swap3A_351 = tpu.vector_load %arg13[%swap3A_349, %swap3A_350] {strides = array<i32>} : memref<8x256xf32, #tpu.memory_space<vmem>>, vector<1x16xf32>,
        %swap3A_352 = vector.shape_cast %swap3A_351 : vector<1x16xf32> to vector<16xf32>
        %swap3A_353 = vector.shape_cast %add3A_348 : vector<16xf32> to vector<1x16xf32>
        tpu.vector_store %arg13[%swap3A_349, %swap3A_350], %swap3A_353 {strides = array<i32>} : memref<8x256xf32, #tpu.memory_space<vmem>>, vector<1x16xf32>,
      }
      %scan3A_64 = arith.constant 8 : i32
      %mul3A_65 = arith.constant 8 : i32
      %mul3A_66 = arith.muli %add3A_53, %mul3A_65 : i32
      %add3A_67 = arith.addi %mul3A_2, %mul3A_66 : i32
      %dma_start3A_68 = arith.constant 0 : i32
      %dma_start3A_69 = tpu.memref_slice %arg6[%add3A_67, %dma_start3A_68] : memref<10240x256xf32, #tpu.memory_space<hbm>> -> memref<8x256xf32, #tpu.memory_space<hbm>>
      %dma_start3A_70 = arith.constant 0 : i32
      %dma_start3A_71 = tpu.memref_slice %arg6[%add3A_67, %dma_start3A_70] : memref<10240x256xf32, #tpu.memory_space<hbm>> -> memref<8x256xf32, #tpu.memory_space<hbm>>
      tpu.enqueue_dma source(%arg13 : memref<8x256xf32, #tpu.memory_space<vmem>>) target(%dma_start3A_71 : memref<8x256xf32, #tpu.memory_space<hbm>>) target_semaphore(%arg18 : memref<!tpu.dma_semaphore, #tpu.memory_space<semaphore_mem>>)
      %add3A_72 = arith.constant 2 : i32
      %add3A_73 = arith.addi %add3A_53, %add3A_72 : i32
      %lt3A_74 = arith.constant 40 : i32
      %lt3A_75 = arith.cmpi slt, %add3A_73, %lt3A_74 : i32
      %convert_element_type3A_76 = arith.extui %lt3A_75 : i1 to i32
      %cond3A_77 = arith.constant 0 : i32
      %cond3A_78 = arith.cmpi ne, %convert_element_type3A_76, %cond3A_77 : i32
      scf.if %cond3A_78 {
        %add3A_79 = arith.constant 2 : i32
        %add3A_80 = arith.addi %add3A_53, %add3A_79 : i32
      } else {
      }
    }
    %scan3A_11 = arith.constant 20 : i32
    %dma_wait3A_12 = arith.constant 0 : i32
    %dma_wait3A_13 = arith.constant 0 : i32
    %dma_wait3A_14 = tpu.memref_slice %arg6[%dma_wait3A_12, %dma_wait3A_13] : memref<10240x256xf32, #tpu.memory_space<hbm>> -> memref<8x256xf32, #tpu.memory_space<hbm>>
    %dma_wait3A_15 = arith.constant 0 : i32
    %dma_wait3A_16 = arith.constant 0 : i32
    %dma_wait3A_17 = tpu.memref_slice %arg6[%dma_wait3A_15, %dma_wait3A_16] : memref<10240x256xf32, #tpu.memory_space<hbm>> -> memref<8x256xf32, #tpu.memory_space<hbm>>
    tpu.wait_dma2 semaphore(%arg17 : memref<!tpu.dma_semaphore, #tpu.memory_space<semaphore_mem>>) src(%arg12 : memref<8x256xf32, #tpu.memory_space<vmem>>) dst(%dma_wait3A_17 : memref<8x256xf32, #tpu.memory_space<hbm>>)
    %dma_wait3A_18 = arith.constant 0 : i32
    %dma_wait3A_19 = arith.constant 0 : i32
    %dma_wait3A_20 = tpu.memref_slice %arg6[%dma_wait3A_18, %dma_wait3A_19] : memref<10240x256xf32, #tpu.memory_space<hbm>> -> memref<8x256xf32, #tpu.memory_space<hbm>>
    %dma_wait3A_21 = arith.constant 0 : i32
    %dma_wait3A_22 = arith.constant 0 : i32
    %dma_wait3A_23 = tpu.memref_slice %arg6[%dma_wait3A_21, %dma_wait3A_22] : memref<10240x256xf32, #tpu.memory_space<hbm>> -> memref<8x256xf32, #tpu.memory_space<hbm>>
    tpu.wait_dma2 semaphore(%arg18 : memref<!tpu.dma_semaphore, #tpu.memory_space<semaphore_mem>>) src(%arg13 : memref<8x256xf32, #tpu.memory_space<vmem>>) dst(%dma_wait3A_23 : memref<8x256xf32, #tpu.memory_space<hbm>>)
    return
  }
}

module attributes {stable_mosaic.version = 14 : i64} {
  func.func @_attproj_body(%arg0: i32, %arg1: memref<256x256xf32, #tpu.memory_space<vmem>>, %arg2: memref<1x512xf32, #tpu.memory_space<vmem>>, %arg3: memref<2x256xf32, #tpu.memory_space<vmem>>) attributes {dimension_semantics = [#tpu.dimension_semantics<arbitrary>], iteration_bounds = array<i64: 40>, scalar_prefetch = 0 : i64, scratch_operands = 0 : i64, tpu.core_type = #tpu.core_type<tc>, window_params = [{transform_indices = @transform_0, window_bounds = array<i64: 256, 256>}, {pipeline_mode = #tpu.pipeline_mode<synchronous>, transform_indices = @transform_1, window_bounds = array<i64: 1, 512>}, {transform_indices = @transform_2, window_bounds = array<i64: 2, 256>}]} {
    %get3A = arith.constant 0 : index
    %get3A_0 = arith.constant 0 : index
    %get3A_1 = vector.load %arg1[%get3A, %get3A_0] : memref<256x256xf32, #tpu.memory_space<vmem>>, vector<256x256xf32>
    %get3A_2 = arith.constant 0 : index
    %get3A_3 = arith.constant 0 : index
    %get3A_4 = vector.load %arg2[%get3A_2, %get3A_3] : memref<1x512xf32, #tpu.memory_space<vmem>>, vector<1x256xf32>
    %get3A_5 = vector.shape_cast %get3A_4 : vector<1x256xf32> to vector<256xf32>
    %get3A_6 = arith.constant 0 : index
    %get3A_7 = arith.constant 256 : index
    %get3A_8 = vector.load %arg2[%get3A_6, %get3A_7] : memref<1x512xf32, #tpu.memory_space<vmem>>, vector<1x256xf32>
    %get3A_9 = vector.shape_cast %get3A_8 : vector<1x256xf32> to vector<256xf32>
    %dot_general3A = arith.constant dense<0.000000e+00> : vector<256xf32>
    %dot_general3A_10 = tpu.matmul %get3A_1, %get3A_5, %dot_general3A {dimension_numbers = #tpu.dot_dimension_numbers<[1], [0], [0], [], [0, 0], [], []>, transpose_lhs_hint = false} : vector<256x256xf32>, vector<256xf32>, vector<256xf32> -> vector<256xf32>
    %swap3A = arith.constant 0 : index
    %swap3A_11 = arith.constant 0 : index
    %swap3A_12 = vector.load %arg3[%swap3A, %swap3A_11] : memref<2x256xf32, #tpu.memory_space<vmem>>, vector<1x256xf32>
    %swap3A_13 = vector.shape_cast %swap3A_12 : vector<1x256xf32> to vector<256xf32>
    %swap3A_14 = vector.shape_cast %dot_general3A_10 : vector<256xf32> to vector<1x256xf32>
    tpu.vector_store %arg3[%swap3A, %swap3A_11], %swap3A_14 {strides = array<i32>} : memref<2x256xf32, #tpu.memory_space<vmem>>, vector<1x256xf32>,
    %dot_general3A_15 = arith.constant dense<0.000000e+00> : vector<256xf32>
    %dot_general3A_16 = tpu.matmul %get3A_1, %get3A_9, %dot_general3A_15 {dimension_numbers = #tpu.dot_dimension_numbers<[1], [0], [0], [], [0, 0], [], []>, transpose_lhs_hint = false} : vector<256x256xf32>, vector<256xf32>, vector<256xf32> -> vector<256xf32>
    %swap3A_17 = arith.constant 1 : index
    %swap3A_18 = arith.constant 0 : index
    %swap3A_19 = vector.load %arg3[%swap3A_17, %swap3A_18] : memref<2x256xf32, #tpu.memory_space<vmem>>, vector<1x256xf32>
    %swap3A_20 = vector.shape_cast %swap3A_19 : vector<1x256xf32> to vector<256xf32>
    %swap3A_21 = vector.shape_cast %dot_general3A_16 : vector<256xf32> to vector<1x256xf32>
    tpu.vector_store %arg3[%swap3A_17, %swap3A_18], %swap3A_21 {strides = array<i32>} : memref<2x256xf32, #tpu.memory_space<vmem>>, vector<1x256xf32>,
    return
  }
  func.func @transform_0(%arg0: i32) -> (i32, i32) {
    %c0_i32 = arith.constant 0 : i32
    %c0_i32_0 = arith.constant 0 : i32
    return %arg0, %c0_i32 : i32, i32
  }
  func.func @transform_1(%arg0: i32) -> (i32, i32) {
    %c0_i32 = arith.constant 0 : i32
    %c0_i32_0 = arith.constant 0 : i32
    %c0_i32_1 = arith.constant 0 : i32
    return %c0_i32, %c0_i32_0 : i32, i32
  }
  func.func @transform_2(%arg0: i32) -> (i32, i32) {
    %c0_i32 = arith.constant 0 : i32
    %c0_i32_0 = arith.constant 0 : i32
    return %c0_i32, %arg0 : i32, i32
  }
}

module attributes {stable_mosaic.version = 14 : i64} {
  func.func @_pool_body(%arg0: i32, %arg1: memref<200x256xf32, #tpu.memory_space<vmem>>, %arg2: memref<256x512xf32, #tpu.memory_space<vmem>>, %arg3: memref<1x512xf32, #tpu.memory_space<vmem>>, %arg4: memref<8x200xi32, #tpu.memory_space<vmem>>, %arg5: memref<1x6x1024xf32, #tpu.memory_space<vmem>>) attributes {dimension_semantics = [#tpu.dimension_semantics<arbitrary>], iteration_bounds = array<i64: 50>, scalar_prefetch = 0 : i64, scratch_operands = 0 : i64, tpu.core_type = #tpu.core_type<tc>, window_params = [{transform_indices = @transform_0, window_bounds = array<i64: 200, 256>}, {pipeline_mode = #tpu.pipeline_mode<synchronous>, transform_indices = @transform_1, window_bounds = array<i64: 256, 512>}, {pipeline_mode = #tpu.pipeline_mode<synchronous>, transform_indices = @transform_2, window_bounds = array<i64: 1, 512>}, {pipeline_mode = #tpu.pipeline_mode<synchronous>, transform_indices = @transform_3, window_bounds = array<i64: 8, 200>}, {transform_indices = @transform_4, window_bounds = array<i64: 1, 6, 1024>}]} {
    %get3A = arith.constant 0 : index
    %get3A_0 = arith.constant 0 : index
    %get3A_1 = vector.load %arg1[%get3A, %get3A_0] : memref<200x256xf32, #tpu.memory_space<vmem>>, vector<200x256xf32>
    %get3A_2 = arith.constant 0 : index
    %get3A_3 = arith.constant 0 : index
    %get3A_4 = vector.load %arg2[%get3A_2, %get3A_3] : memref<256x512xf32, #tpu.memory_space<vmem>>, vector<256x512xf32>
    %dot_general3A = arith.constant dense<0.000000e+00> : vector<200x512xf32>
    %dot_general3A_5 = tpu.matmul %get3A_1, %get3A_4, %dot_general3A {dimension_numbers = #tpu.dot_dimension_numbers<[1], [0], [0], [1], [0, 0, 1, 1], [], []>, transpose_lhs_hint = false} : vector<200x256xf32>, vector<256x512xf32>, vector<200x512xf32> -> vector<200x512xf32>
    %mul3A = arith.constant 5.000000e-01 : f32
    %mul3A_6 = vector.broadcast %mul3A : f32 to vector<200x512xf32>
    %mul3A_7 = arith.mulf %mul3A_6, %dot_general3A_5 : vector<200x512xf32>
    %get3A_8 = arith.constant 0 : index
    %get3A_9 = arith.constant 0 : index
    %get3A_10 = vector.load %arg3[%get3A_8, %get3A_9] : memref<1x512xf32, #tpu.memory_space<vmem>>, vector<1x512xf32>
    %get3A_11 = vector.shape_cast %get3A_10 : vector<1x512xf32> to vector<512xf32>
    %broadcast_in_dim3A = vector.shape_cast %get3A_11 : vector<512xf32> to vector<1x512xf32>
    %add3A = vector.broadcast %broadcast_in_dim3A : vector<1x512xf32> to vector<200x512xf32>
    %add3A_12 = arith.addf %mul3A_7, %add3A : vector<200x512xf32>
    %max3A = arith.constant 0.000000e+00 : f32
    %max3A_13 = vector.broadcast %max3A : f32 to vector<200x512xf32>
    %max3A_14 = arith.maximumf %add3A_12, %max3A_13 : vector<200x512xf32>
    %get3A_15 = arith.constant 0 : index
    %get3A_16 = arith.constant 0 : index
    %get3A_17 = vector.load %arg4[%get3A_15, %get3A_16] : memref<8x200xi32, #tpu.memory_space<vmem>>, vector<1x200xi32>
    %get3A_18 = vector.shape_cast %get3A_17 : vector<1x200xi32> to vector<200xi32>
    %iota3A = tpu.iota {dimensions = array<i32: 0>} : vector<6x200xi32>
    %broadcast_in_dim3A_19 = vector.shape_cast %get3A_18 : vector<200xi32> to vector<1x200xi32>
    %eq3A = vector.broadcast %broadcast_in_dim3A_19 : vector<1x200xi32> to vector<6x200xi32>
    %eq3A_20 = arith.cmpi eq, %eq3A, %iota3A : vector<6x200xi32>
    %convert_element_type3A = arith.extui %eq3A_20 : vector<6x200xi1> to vector<6x200xi32>
    %convert_element_type3A_21 = arith.sitofp %convert_element_type3A : vector<6x200xi32> to vector<6x200xf32>
    %reduce_sum3A = arith.constant dense<0.000000e+00> : vector<6xf32>
    %reduce_sum3A_22 = vector.multi_reduction <add>, %convert_element_type3A_21, %reduce_sum3A [1] : vector<6x200xf32> to vector<6xf32>
    %dot_general3A_23 = arith.constant dense<0.000000e+00> : vector<6x512xf32>
    %dot_general3A_24 = tpu.matmul %convert_element_type3A_21, %max3A_14, %dot_general3A_23 {dimension_numbers = #tpu.dot_dimension_numbers<[1], [0], [0], [1], [0, 0, 1, 1], [], []>, transpose_lhs_hint = false} : vector<6x200xf32>, vector<200x512xf32>, vector<6x512xf32> -> vector<6x512xf32>
    %max3A_25 = arith.constant 1.000000e+00 : f32
    %max3A_26 = vector.broadcast %max3A_25 : f32 to vector<6xf32>
    %max3A_27 = arith.maximumf %reduce_sum3A_22, %max3A_26 : vector<6xf32>
    %broadcast_in_dim3A_28 = vector.shape_cast %max3A_27 : vector<6xf32> to vector<6x1xf32>
    %div3A = vector.broadcast %broadcast_in_dim3A_28 : vector<6x1xf32> to vector<6x512xf32>
    %div3A_29 = arith.divf %dot_general3A_24, %div3A : vector<6x512xf32>
    %reshape3A = vector.shape_cast %get3A_18 : vector<200xi32> to vector<200x1xi32>
    %broadcast_in_dim3A_30 = vector.shape_cast %reshape3A : vector<200x1xi32> to vector<200x1xi32>
    %broadcast_in_dim3A_31 = vector.broadcast %broadcast_in_dim3A_30 : vector<200x1xi32> to vector<200x512xi32>
    %eq3A_32 = arith.constant 0 : i32
    %eq3A_33 = vector.broadcast %eq3A_32 : i32 to vector<200x512xi32>
    %eq3A_34 = arith.cmpi eq, %broadcast_in_dim3A_31, %eq3A_33 : vector<200x512xi32>
    %jit3A = arith.constant -1.000000e+30 : f32
    %broadcast_in_dim3A_35 = vector.broadcast %jit3A : f32 to vector<200x512xf32>
    %select_n3A = arith.select %eq3A_34, %max3A_14, %broadcast_in_dim3A_35 : vector<200x512xi1>, vector<200x512xf32>
    %reduce_max3A = arith.constant dense<0xFF800000> : vector<512xf32>
    %reduce_max3A_36 = vector.multi_reduction <maximumf>, %select_n3A, %reduce_max3A [0] : vector<200x512xf32> to vector<512xf32>
    %reshape3A_37 = vector.shape_cast %reduce_max3A_36 : vector<512xf32> to vector<1x512xf32>
    %eq3A_38 = arith.constant 1 : i32
    %eq3A_39 = vector.broadcast %eq3A_38 : i32 to vector<200x512xi32>
    %eq3A_40 = arith.cmpi eq, %broadcast_in_dim3A_31, %eq3A_39 : vector<200x512xi32>
    %jit3A_41 = arith.constant -1.000000e+30 : f32
    %broadcast_in_dim3A_42 = vector.broadcast %jit3A_41 : f32 to vector<200x512xf32>
    %select_n3A_43 = arith.select %eq3A_40, %max3A_14, %broadcast_in_dim3A_42 : vector<200x512xi1>, vector<200x512xf32>
    %reduce_max3A_44 = arith.constant dense<0xFF800000> : vector<512xf32>
    %reduce_max3A_45 = vector.multi_reduction <maximumf>, %select_n3A_43, %reduce_max3A_44 [0] : vector<200x512xf32> to vector<512xf32>
    %reshape3A_46 = vector.shape_cast %reduce_max3A_45 : vector<512xf32> to vector<1x512xf32>
    %eq3A_47 = arith.constant 2 : i32
    %eq3A_48 = vector.broadcast %eq3A_47 : i32 to vector<200x512xi32>
    %eq3A_49 = arith.cmpi eq, %broadcast_in_dim3A_31, %eq3A_48 : vector<200x512xi32>
    %jit3A_50 = arith.constant -1.000000e+30 : f32
    %broadcast_in_dim3A_51 = vector.broadcast %jit3A_50 : f32 to vector<200x512xf32>
    %select_n3A_52 = arith.select %eq3A_49, %max3A_14, %broadcast_in_dim3A_51 : vector<200x512xi1>, vector<200x512xf32>
    %reduce_max3A_53 = arith.constant dense<0xFF800000> : vector<512xf32>
    %reduce_max3A_54 = vector.multi_reduction <maximumf>, %select_n3A_52, %reduce_max3A_53 [0] : vector<200x512xf32> to vector<512xf32>
    %reshape3A_55 = vector.shape_cast %reduce_max3A_54 : vector<512xf32> to vector<1x512xf32>
    %eq3A_56 = arith.constant 3 : i32
    %eq3A_57 = vector.broadcast %eq3A_56 : i32 to vector<200x512xi32>
    %eq3A_58 = arith.cmpi eq, %broadcast_in_dim3A_31, %eq3A_57 : vector<200x512xi32>
    %jit3A_59 = arith.constant -1.000000e+30 : f32
    %broadcast_in_dim3A_60 = vector.broadcast %jit3A_59 : f32 to vector<200x512xf32>
    %select_n3A_61 = arith.select %eq3A_58, %max3A_14, %broadcast_in_dim3A_60 : vector<200x512xi1>, vector<200x512xf32>
    %reduce_max3A_62 = arith.constant dense<0xFF800000> : vector<512xf32>
    %reduce_max3A_63 = vector.multi_reduction <maximumf>, %select_n3A_61, %reduce_max3A_62 [0] : vector<200x512xf32> to vector<512xf32>
    %reshape3A_64 = vector.shape_cast %reduce_max3A_63 : vector<512xf32> to vector<1x512xf32>
    %eq3A_65 = arith.constant 4 : i32
    %eq3A_66 = vector.broadcast %eq3A_65 : i32 to vector<200x512xi32>
    %eq3A_67 = arith.cmpi eq, %broadcast_in_dim3A_31, %eq3A_66 : vector<200x512xi32>
    %jit3A_68 = arith.constant -1.000000e+30 : f32
    %broadcast_in_dim3A_69 = vector.broadcast %jit3A_68 : f32 to vector<200x512xf32>
    %select_n3A_70 = arith.select %eq3A_67, %max3A_14, %broadcast_in_dim3A_69 : vector<200x512xi1>, vector<200x512xf32>
    %reduce_max3A_71 = arith.constant dense<0xFF800000> : vector<512xf32>
    %reduce_max3A_72 = vector.multi_reduction <maximumf>, %select_n3A_70, %reduce_max3A_71 [0] : vector<200x512xf32> to vector<512xf32>
    %reshape3A_73 = vector.shape_cast %reduce_max3A_72 : vector<512xf32> to vector<1x512xf32>
    %eq3A_74 = arith.constant 5 : i32
    %eq3A_75 = vector.broadcast %eq3A_74 : i32 to vector<200x512xi32>
    %eq3A_76 = arith.cmpi eq, %broadcast_in_dim3A_31, %eq3A_75 : vector<200x512xi32>
    %jit3A_77 = arith.constant -1.000000e+30 : f32
    %broadcast_in_dim3A_78 = vector.broadcast %jit3A_77 : f32 to vector<200x512xf32>
    %select_n3A_79 = arith.select %eq3A_76, %max3A_14, %broadcast_in_dim3A_78 : vector<200x512xi1>, vector<200x512xf32>
    %reduce_max3A_80 = arith.constant dense<0xFF800000> : vector<512xf32>
    %reduce_max3A_81 = vector.multi_reduction <maximumf>, %select_n3A_79, %reduce_max3A_80 [0] : vector<200x512xf32> to vector<512xf32>
    %reshape3A_82 = vector.shape_cast %reduce_max3A_81 : vector<512xf32> to vector<1x512xf32>
    %concatenate3A = tpu.concatenate %reshape3A_37, %reshape3A_46, %reshape3A_55, %reshape3A_64, %reshape3A_73, %reshape3A_82 in 0 : vector<1x512xf32>, vector<1x512xf32>, vector<1x512xf32>, vector<1x512xf32>, vector<1x512xf32>, vector<1x512xf32> -> vector<6x512xf32>
    %broadcast_in_dim3A_83 = vector.shape_cast %reduce_sum3A_22 : vector<6xf32> to vector<6x1xf32>
    %gt3A = arith.constant 0.000000e+00 : f32
    %gt3A_84 = vector.broadcast %gt3A : f32 to vector<6x1xf32>
    %gt3A_85 = arith.cmpf ogt, %broadcast_in_dim3A_83, %gt3A_84 : vector<6x1xf32>
    %jit3A_86 = arith.constant 0.000000e+00 : f32
    %broadcast_in_dim3A_87 = vector.shape_cast %gt3A_85 : vector<6x1xi1> to vector<6x1xi1>
    %broadcast_in_dim3A_88 = vector.broadcast %broadcast_in_dim3A_87 : vector<6x1xi1> to vector<6x512xi1>
    %broadcast_in_dim3A_89 = vector.broadcast %jit3A_86 : f32 to vector<6x512xf32>
    %select_n3A_90 = arith.select %broadcast_in_dim3A_88, %concatenate3A, %broadcast_in_dim3A_89 : vector<6x512xi1>, vector<6x512xf32>
    %concatenate3A_91 = tpu.concatenate %div3A_29, %select_n3A_90 in 1 : vector<6x512xf32>, vector<6x512xf32> -> vector<6x1024xf32>
    %swap3A = arith.constant 0 : index
    %swap3A_92 = arith.constant 0 : index
    %swap3A_93 = arith.constant 0 : index
    %swap3A_94 = vector.load %arg5[%swap3A, %swap3A_92, %swap3A_93] : memref<1x6x1024xf32, #tpu.memory_space<vmem>>, vector<1x6x1024xf32>
    %swap3A_95 = vector.shape_cast %swap3A_94 : vector<1x6x1024xf32> to vector<6x1024xf32>
    %swap3A_96 = vector.shape_cast %concatenate3A_91 : vector<6x1024xf32> to vector<1x6x1024xf32>
    tpu.vector_store %arg5[%swap3A, %swap3A_92, %swap3A_93], %swap3A_96 {strides = array<i32>} : memref<1x6x1024xf32, #tpu.memory_space<vmem>>, vector<1x6x1024xf32>,
    return
  }
  func.func @transform_0(%arg0: i32) -> (i32, i32) {
    %c0_i32 = arith.constant 0 : i32
    %c0_i32_0 = arith.constant 0 : i32
    return %arg0, %c0_i32 : i32, i32
  }
  func.func @transform_1(%arg0: i32) -> (i32, i32) {
    %c0_i32 = arith.constant 0 : i32
    %c0_i32_0 = arith.constant 0 : i32
    %c0_i32_1 = arith.constant 0 : i32
    return %c0_i32, %c0_i32_0 : i32, i32
  }
  func.func @transform_2(%arg0: i32) -> (i32, i32) {
    %c0_i32 = arith.constant 0 : i32
    %c0_i32_0 = arith.constant 0 : i32
    %c0_i32_1 = arith.constant 0 : i32
    return %c0_i32, %c0_i32_0 : i32, i32
  }
  func.func @transform_3(%arg0: i32) -> (i32, i32) {
    %c0_i32 = arith.constant 0 : i32
    %c0_i32_0 = arith.constant 0 : i32
    %c0_i32_1 = arith.constant 0 : i32
    return %c0_i32, %c0_i32_0 : i32, i32
  }
  func.func @transform_4(%arg0: i32) -> (i32, i32, i32) {
    %c0_i32 = arith.constant 0 : i32
    %c0_i32_0 = arith.constant 0 : i32
    %c0_i32_1 = arith.constant 0 : i32
    return %arg0, %c0_i32, %c0_i32_0 : i32, i32, i32
  }
}

module attributes {stable_mosaic.version = 14 : i64} {
  func.func @_hyper_body(%arg0: memref<300x1024xf32, #tpu.memory_space<vmem>>, %arg1: memref<1x2048xf32, #tpu.memory_space<vmem>>, %arg2: memref<1024x512xf32, #tpu.memory_space<vmem>>, %arg3: memref<1x512xf32, #tpu.memory_space<vmem>>, %arg4: memref<512x512xf32, #tpu.memory_space<vmem>>, %arg5: memref<1x512xf32, #tpu.memory_space<vmem>>, %arg6: memref<300x512xf32, #tpu.memory_space<vmem>>) attributes {dimension_semantics = [], scalar_prefetch = 0 : i64, scratch_operands = 0 : i64, tpu.core_type = #tpu.core_type<tc>} {
    %get3A = arith.constant 0 : index
    %get3A_0 = arith.constant 0 : index
    %get3A_1 = vector.load %arg0[%get3A, %get3A_0] : memref<300x1024xf32, #tpu.memory_space<vmem>>, vector<300x1024xf32>
    %get3A_2 = arith.constant 0 : index
    %get3A_3 = arith.constant 0 : index
    %get3A_4 = vector.load %arg1[%get3A_2, %get3A_3] : memref<1x2048xf32, #tpu.memory_space<vmem>>, vector<1x2048xf32>
    %get3A_5 = vector.shape_cast %get3A_4 : vector<1x2048xf32> to vector<2048xf32>
    %slice3A = vector.extract_strided_slice %get3A_5 {offsets = [0], sizes = [1024], strides = [1]} : vector<2048xf32> to vector<1024xf32>
    %dot_general3A = arith.constant dense<0.000000e+00> : vector<300xf32>
    %dot_general3A_6 = tpu.matmul %get3A_1, %slice3A, %dot_general3A {dimension_numbers = #tpu.dot_dimension_numbers<[1], [0], [0], [], [0, 0], [], []>, transpose_lhs_hint = false} : vector<300x1024xf32>, vector<1024xf32>, vector<300xf32> -> vector<300xf32>
    %slice3A_7 = vector.extract_strided_slice %get3A_5 {offsets = [1024], sizes = [1024], strides = [1]} : vector<2048xf32> to vector<1024xf32>
    %dot_general3A_8 = arith.constant dense<0.000000e+00> : vector<300xf32>
    %dot_general3A_9 = tpu.matmul %get3A_1, %slice3A_7, %dot_general3A_8 {dimension_numbers = #tpu.dot_dimension_numbers<[1], [0], [0], [], [0, 0], [], []>, transpose_lhs_hint = false} : vector<300x1024xf32>, vector<1024xf32>, vector<300xf32> -> vector<300xf32>
    %iota3A = tpu.iota {dimensions = array<i32: 0>} : vector<300x300xi32>
    %jit3A = arith.constant 6 : i32
    %div3A = vector.broadcast %jit3A : i32 to vector<300x300xi32>
    %div3A_10 = arith.divsi %iota3A, %div3A : vector<300x300xi32>
    %sign3A = arith.constant 0 : i32
    %sign3A_11 = vector.broadcast %sign3A : i32 to vector<300x300xi32>
    %sign3A_12 = arith.cmpi sgt, %iota3A, %sign3A_11 : vector<300x300xi32>
    %sign3A_13 = arith.extui %sign3A_12 : vector<300x300xi1> to vector<300x300xi32>
    %sign3A_14 = arith.constant 0 : i32
    %sign3A_15 = vector.broadcast %sign3A_14 : i32 to vector<300x300xi32>
    %sign3A_16 = arith.cmpi slt, %iota3A, %sign3A_15 : vector<300x300xi32>
    %sign3A_17 = arith.extui %sign3A_16 : vector<300x300xi1> to vector<300x300xi32>
    %sign3A_18 = arith.subi %sign3A_13, %sign3A_17 : vector<300x300xi32>
    %sign3A_19 = arith.constant 0 : i32
    %sign3A_20 = arith.cmpi sgt, %jit3A, %sign3A_19 : i32
    %sign3A_21 = arith.extui %sign3A_20 : i1 to i32
    %sign3A_22 = arith.constant 0 : i32
    %sign3A_23 = arith.cmpi slt, %jit3A, %sign3A_22 : i32
    %sign3A_24 = arith.extui %sign3A_23 : i1 to i32
    %sign3A_25 = arith.subi %sign3A_21, %sign3A_24 : i32
    %ne3A = vector.broadcast %sign3A_25 : i32 to vector<300x300xi32>
    %ne3A_26 = arith.cmpi ne, %sign3A_18, %ne3A : vector<300x300xi32>
    %rem3A = vector.broadcast %jit3A : i32 to vector<300x300xi32>
    %rem3A_27 = arith.remsi %iota3A, %rem3A : vector<300x300xi32>
    %ne3A_28 = arith.constant 0 : i32
    %ne3A_29 = vector.broadcast %ne3A_28 : i32 to vector<300x300xi32>
    %ne3A_30 = arith.cmpi ne, %rem3A_27, %ne3A_29 : vector<300x300xi32>
    %and3A = arith.andi %ne3A_26, %ne3A_30 : vector<300x300xi1>
    %sub3A = arith.constant 1 : i32
    %sub3A_31 = vector.broadcast %sub3A : i32 to vector<300x300xi32>
    %sub3A_32 = arith.subi %div3A_10, %sub3A_31 : vector<300x300xi32>
    %select_n3A = arith.select %and3A, %sub3A_32, %div3A_10 : vector<300x300xi1>, vector<300x300xi32>
    %iota3A_33 = tpu.iota {dimensions = array<i32: 1>} : vector<300x300xi32>
    %jit3A_34 = arith.constant 6 : i32
    %div3A_35 = vector.broadcast %jit3A_34 : i32 to vector<300x300xi32>
    %div3A_36 = arith.divsi %iota3A_33, %div3A_35 : vector<300x300xi32>
    %sign3A_37 = arith.constant 0 : i32
    %sign3A_38 = vector.broadcast %sign3A_37 : i32 to vector<300x300xi32>
    %sign3A_39 = arith.cmpi sgt, %iota3A_33, %sign3A_38 : vector<300x300xi32>
    %sign3A_40 = arith.extui %sign3A_39 : vector<300x300xi1> to vector<300x300xi32>
    %sign3A_41 = arith.constant 0 : i32
    %sign3A_42 = vector.broadcast %sign3A_41 : i32 to vector<300x300xi32>
    %sign3A_43 = arith.cmpi slt, %iota3A_33, %sign3A_42 : vector<300x300xi32>
    %sign3A_44 = arith.extui %sign3A_43 : vector<300x300xi1> to vector<300x300xi32>
    %sign3A_45 = arith.subi %sign3A_40, %sign3A_44 : vector<300x300xi32>
    %sign3A_46 = arith.constant 0 : i32
    %sign3A_47 = arith.cmpi sgt, %jit3A_34, %sign3A_46 : i32
    %sign3A_48 = arith.extui %sign3A_47 : i1 to i32
    %sign3A_49 = arith.constant 0 : i32
    %sign3A_50 = arith.cmpi slt, %jit3A_34, %sign3A_49 : i32
    %sign3A_51 = arith.extui %sign3A_50 : i1 to i32
    %sign3A_52 = arith.subi %sign3A_48, %sign3A_51 : i32
    %ne3A_53 = vector.broadcast %sign3A_52 : i32 to vector<300x300xi32>
    %ne3A_54 = arith.cmpi ne, %sign3A_45, %ne3A_53 : vector<300x300xi32>
    %rem3A_55 = vector.broadcast %jit3A_34 : i32 to vector<300x300xi32>
    %rem3A_56 = arith.remsi %iota3A_33, %rem3A_55 : vector<300x300xi32>
    %ne3A_57 = arith.constant 0 : i32
    %ne3A_58 = vector.broadcast %ne3A_57 : i32 to vector<300x300xi32>
    %ne3A_59 = arith.cmpi ne, %rem3A_56, %ne3A_58 : vector<300x300xi32>
    %and3A_60 = arith.andi %ne3A_54, %ne3A_59 : vector<300x300xi1>
    %sub3A_61 = arith.constant 1 : i32
    %sub3A_62 = vector.broadcast %sub3A_61 : i32 to vector<300x300xi32>
    %sub3A_63 = arith.subi %div3A_36, %sub3A_62 : vector<300x300xi32>
    %select_n3A_64 = arith.select %and3A_60, %sub3A_63, %div3A_36 : vector<300x300xi1>, vector<300x300xi32>
    %eq3A = arith.cmpi eq, %select_n3A, %select_n3A_64 : vector<300x300xi32>
    %broadcast_in_dim3A = vector.shape_cast %dot_general3A_6 : vector<300xf32> to vector<300x1xf32>
    %broadcast_in_dim3A_65 = vector.shape_cast %dot_general3A_9 : vector<300xf32> to vector<1x300xf32>
    %add3A = vector.broadcast %broadcast_in_dim3A : vector<300x1xf32> to vector<300x300xf32>
    %add3A_66 = vector.broadcast %broadcast_in_dim3A_65 : vector<1x300xf32> to vector<300x300xf32>
    %add3A_67 = arith.addf %add3A, %add3A_66 : vector<300x300xf32>
    %ge3A = arith.constant 0.000000e+00 : f32
    %ge3A_68 = vector.broadcast %ge3A : f32 to vector<300x300xf32>
    %ge3A_69 = arith.cmpf oge, %add3A_67, %ge3A_68 : vector<300x300xf32>
    %mul3A = arith.constant 2.000000e-01 : f32
    %mul3A_70 = vector.broadcast %mul3A : f32 to vector<300x300xf32>
    %mul3A_71 = arith.mulf %mul3A_70, %add3A_67 : vector<300x300xf32>
    %select_n3A_72 = arith.select %ge3A_69, %add3A_67, %mul3A_71 : vector<300x300xi1>, vector<300x300xf32>
    %jit3A_73 = arith.constant -1.000000e+30 : f32
    %broadcast_in_dim3A_74 = vector.broadcast %jit3A_73 : f32 to vector<300x300xf32>
    %select_n3A_75 = arith.select %eq3A, %select_n3A_72, %broadcast_in_dim3A_74 : vector<300x300xi1>, vector<300x300xf32>
    %reduce_max3A = arith.constant dense<0xFF800000> : vector<300xf32>
    %reduce_max3A_76 = vector.multi_reduction <maximumf>, %select_n3A_75, %reduce_max3A [1] : vector<300x300xf32> to vector<300xf32>
    %broadcast_in_dim3A_77 = vector.shape_cast %reduce_max3A_76 : vector<300xf32> to vector<300x1xf32>
    %sub3A_78 = vector.broadcast %broadcast_in_dim3A_77 : vector<300x1xf32> to vector<300x300xf32>
    %sub3A_79 = arith.subf %select_n3A_72, %sub3A_78 : vector<300x300xf32>
    %exp3A = math.exp %sub3A_79 : vector<300x300xf32>
    %jit3A_80 = arith.constant 0.000000e+00 : f32
    %broadcast_in_dim3A_81 = vector.broadcast %jit3A_80 : f32 to vector<300x300xf32>
    %select_n3A_82 = arith.select %eq3A, %exp3A, %broadcast_in_dim3A_81 : vector<300x300xi1>, vector<300x300xf32>
    %reduce_sum3A = arith.constant dense<0.000000e+00> : vector<300xf32>
    %reduce_sum3A_83 = vector.multi_reduction <add>, %select_n3A_82, %reduce_sum3A [1] : vector<300x300xf32> to vector<300xf32>
    %broadcast_in_dim3A_84 = vector.shape_cast %reduce_sum3A_83 : vector<300xf32> to vector<300x1xf32>
    %div3A_85 = vector.broadcast %broadcast_in_dim3A_84 : vector<300x1xf32> to vector<300x300xf32>
    %div3A_86 = arith.divf %select_n3A_82, %div3A_85 : vector<300x300xf32>
    %get3A_87 = arith.constant 0 : index
    %get3A_88 = arith.constant 0 : index
    %get3A_89 = vector.load %arg2[%get3A_87, %get3A_88] : memref<1024x512xf32, #tpu.memory_space<vmem>>, vector<1024x512xf32>
    %dot_general3A_90 = arith.constant dense<0.000000e+00> : vector<300x512xf32>
    %dot_general3A_91 = tpu.matmul %get3A_1, %get3A_89, %dot_general3A_90 {dimension_numbers = #tpu.dot_dimension_numbers<[1], [0], [0], [1], [0, 0, 1, 1], [], []>, transpose_lhs_hint = false} : vector<300x1024xf32>, vector<1024x512xf32>, vector<300x512xf32> -> vector<300x512xf32>
    %dot_general3A_92 = arith.constant dense<0.000000e+00> : vector<300x512xf32>
    %dot_general3A_93 = tpu.matmul %div3A_86, %dot_general3A_91, %dot_general3A_92 {dimension_numbers = #tpu.dot_dimension_numbers<[1], [0], [0], [1], [0, 0, 1, 1], [], []>, transpose_lhs_hint = false} : vector<300x300xf32>, vector<300x512xf32>, vector<300x512xf32> -> vector<300x512xf32>
    %add3A_94 = arith.addf %dot_general3A_93, %dot_general3A_91 : vector<300x512xf32>
    %mul3A_95 = arith.constant 5.000000e-01 : f32
    %mul3A_96 = vector.broadcast %mul3A_95 : f32 to vector<300x512xf32>
    %mul3A_97 = arith.mulf %mul3A_96, %add3A_94 : vector<300x512xf32>
    %get3A_98 = arith.constant 0 : index
    %get3A_99 = arith.constant 0 : index
    %get3A_100 = vector.load %arg3[%get3A_98, %get3A_99] : memref<1x512xf32, #tpu.memory_space<vmem>>, vector<1x512xf32>
    %get3A_101 = vector.shape_cast %get3A_100 : vector<1x512xf32> to vector<512xf32>
    %broadcast_in_dim3A_102 = vector.shape_cast %get3A_101 : vector<512xf32> to vector<1x512xf32>
    %add3A_103 = vector.broadcast %broadcast_in_dim3A_102 : vector<1x512xf32> to vector<300x512xf32>
    %add3A_104 = arith.addf %mul3A_97, %add3A_103 : vector<300x512xf32>
    %max3A = arith.constant 0.000000e+00 : f32
    %max3A_105 = vector.broadcast %max3A : f32 to vector<300x512xf32>
    %max3A_106 = arith.maximumf %add3A_104, %max3A_105 : vector<300x512xf32>
    %get3A_107 = arith.constant 0 : index
    %get3A_108 = arith.constant 0 : index
    %get3A_109 = vector.load %arg4[%get3A_107, %get3A_108] : memref<512x512xf32, #tpu.memory_space<vmem>>, vector<512x512xf32>
    %dot_general3A_110 = arith.constant dense<0.000000e+00> : vector<300x512xf32>
    %dot_general3A_111 = tpu.matmul %max3A_106, %get3A_109, %dot_general3A_110 {dimension_numbers = #tpu.dot_dimension_numbers<[1], [0], [0], [1], [0, 0, 1, 1], [], []>, transpose_lhs_hint = false} : vector<300x512xf32>, vector<512x512xf32>, vector<300x512xf32> -> vector<300x512xf32>
    %dot_general3A_112 = arith.constant dense<0.000000e+00> : vector<300x512xf32>
    %dot_general3A_113 = tpu.matmul %div3A_86, %dot_general3A_111, %dot_general3A_112 {dimension_numbers = #tpu.dot_dimension_numbers<[1], [0], [0], [1], [0, 0, 1, 1], [], []>, transpose_lhs_hint = false} : vector<300x300xf32>, vector<300x512xf32>, vector<300x512xf32> -> vector<300x512xf32>
    %add3A_114 = arith.addf %dot_general3A_113, %dot_general3A_111 : vector<300x512xf32>
    %mul3A_115 = arith.constant 5.000000e-01 : f32
    %mul3A_116 = vector.broadcast %mul3A_115 : f32 to vector<300x512xf32>
    %mul3A_117 = arith.mulf %mul3A_116, %add3A_114 : vector<300x512xf32>
    %get3A_118 = arith.constant 0 : index
    %get3A_119 = arith.constant 0 : index
    %get3A_120 = vector.load %arg5[%get3A_118, %get3A_119] : memref<1x512xf32, #tpu.memory_space<vmem>>, vector<1x512xf32>
    %get3A_121 = vector.shape_cast %get3A_120 : vector<1x512xf32> to vector<512xf32>
    %broadcast_in_dim3A_122 = vector.shape_cast %get3A_121 : vector<512xf32> to vector<1x512xf32>
    %add3A_123 = vector.broadcast %broadcast_in_dim3A_122 : vector<1x512xf32> to vector<300x512xf32>
    %add3A_124 = arith.addf %mul3A_117, %add3A_123 : vector<300x512xf32>
    %max3A_125 = arith.constant 0.000000e+00 : f32
    %max3A_126 = vector.broadcast %max3A_125 : f32 to vector<300x512xf32>
    %max3A_127 = arith.maximumf %add3A_124, %max3A_126 : vector<300x512xf32>
    %swap3A = arith.constant 0 : index
    %swap3A_128 = arith.constant 0 : index
    %swap3A_129 = vector.load %arg6[%swap3A, %swap3A_128] : memref<300x512xf32, #tpu.memory_space<vmem>>, vector<300x512xf32>
    tpu.vector_store %arg6[%swap3A, %swap3A_128], %max3A_127 {strides = array<i32>} : memref<300x512xf32, #tpu.memory_space<vmem>>, vector<300x512xf32>,
    return
  }
}

</mosaic_0001>

<sc_bundles>
// kernel: kernel.6.cloned.1.call-start
scs
__scs_entry_jumppad:
0x0: {  	(pc) =	sbr.rel $0x88, $3  }
0x1: {  	(tag) =	ssettag $0x0;
	lr =	simm.s32 $0x1  }
0x2: {  	[smem:$0x3F96] =	sst lr;
	_ =	strace $0xD0000000  }
0x3: {  	_ = 	snop  }
0x4: {  	_ = 	snop  }
0x5: {  	_ = 	snop  }
0x6: {  	_ = 	snop  }
0x7: {  	_ = 	snop  }
__scs_overlays_trampoline_lowered:
0x8: {  	[smem:$0x3FA5] =	sst s0  }
0x9: {  	[smem:$0x3FA6] =	sst s1  }
0xa: {  	[smem:$0x3FA7] =	sst s2  }
0xb: {  	[smem:$0x3FA8] =	sst s3  }
0xc: {  	[smem:$0x3FA9] =	sst s4  }
0xd: {  	[smem:$0x3FAA] =	sst s5  }
0xe: {  	[smem:$0x3FAB] =	sst s6  }
0xf: {  	[smem:$0x3FAC] =	sst s7  }
0x10: {  	[smem:$0x3FAD] =	sst s8  }
0x11: {  	[smem:$0x3FAE] =	sst s9;
	s0 =	simm.s32 @!p0 $0x0  }
0x12: {  	s1 =	sld [smem:$0x3F94];
	s0 =	simm.s32 @p0 $0x1  }
0x13: {  	[smem:$0x3FAF] =	sst s0;
	s0 =	simm.s32 @!p1 $0x0  }
0x14: {  	s2 =	sld [smem:$0x3F93];
	s0 =	simm.s32 @p1 $0x1  }
0x15: {  	[smem:$0x3FB0] =	sst s0;
	s0 =	simm.s32 @!p2 $0x0  }
0x16: {  	s3 =	sld [smem:$0x3FDB];
	s0 =	simm.s32 @p2 $0x1  }
0x17: {  	s4 =	simm.s32 $0x1BF5;
	[smem:$0x3FB2] =	sst s0  }
0x18: {  	s0 =	sld [smem:$0x3F95];
	_ =	swait.ge [sflag:s4], $0x0  }
0x19: {  	s7 =	sld [smem:$0x3F96]  }
0x1a: {  	s8 =	sadd.s32 $0xFFFFE003, lr  }
0x1b: {  	s9 =	sadd.s32 $0xFFFFFEF7, lr;
	s5 =	simm.s32 $0xFFFFFFFF;
	p2 =	slt.u32 s8, $0xFFFFF086  }
0x1c: {  	p1 =	slt.u32 s9, $0xF7A;
	s5 =	simm.s32 @!p2 $0x0  }
0x1d: {  	s5 =	simm.s32 @p1 $0x1;
	p0 =	seq.s32 s7, s2  }
0x1e: {  	s7 =	smul.u32 @!p0 $0xF7A, s2;
	p2 =	seq.s32 @!p0 s5, $0x0  }
0x1f: {  	s9 =	smul.u32 $0xF7A, s1;
	s8 =	simm.s32 @!p0 $0x1BF5;
	p2 =	por !p2, p0  }
0x20: {  	[sflag:s8] =	ssyncset.s32 @!p0 $0xFFFFF086;
	s6 =	sadd.s32 @!p0 s3, s7;
	s7 =	simm.s32 @!p0 $0x108  }
0x21: {  	s3 =	sadd.s32 s3, s9;
	s6 =	sadd.s32 @!p0 $0x88, s6;
	s7 =	simm.s32 @p2 $0x1082  }
0x22: {  	[simem:s7], [sflag:s8] =	dma.local @!p0 [hbm:s6], $0xF7A  }
0x23: {  	s9 =	sor.u32 $0xD0000000, s2;
	s6 =	simm.s32 $0x108;
	_ =	swait.ge @!p0 [sflag:s8], $0x0  }
0x24: {  	s3 =	sadd.s32 $0x88, s3;
	s6 =	simm.s32 @!p1 $0x1082;
	[sflag:s4] =	ssyncset.s32 $0xFFFFF086  }
0x25: {  	[simem:s6], [sflag:s4] =	dma.local [hbm:s3], $0xF7A  }
0x26: {  	[smem:$0x3F96] =	sst s1;
	(tag) =	ssettag s2;
	_ =	strace s9  }
0x27: {  	s1 =	sld [smem:$0x3FA6]  }
0x28: {  	s2 =	sld [smem:$0x3FA7]  }
0x29: {  	s4 =	sld [smem:$0x3FA9]  }
0x2a: {  	p0 =	seq.s32 s5, $0x0;
	s5 =	sld [smem:$0x3FAA]  }
0x2b: {  	s6 =	sld [smem:$0x3FAB]  }
0x2c: {  	s7 =	sld [smem:$0x3FAC]  }
0x2d: {  	s3 =	simm.s32 $0x108;
	s8 =	sld [smem:$0x3FAD]  }
0x2e: {  	s3 =	simm.s32 @!p0 $0x1082;
	s9 =	sld [smem:$0x3FAE]  }
0x2f: {  	lr =	sadd.s32 s0, s3;
	s0 =	sld [smem:$0x3FA5]  }
0x30: {  	s3 =	sld [smem:$0x3FA8]  }
0x31: {  	[smem:$0x3FB1] =	sst s10  }
0x32: {  	s10 =	sld [smem:$0x3FAF];
	_ =	sdelay $0x3  }
0x33: {  	p0 =	seq.s32 s10, $0x1;
	s10 =	sld [smem:$0x3FB1];
	_ =	sdelay $0x3  }
0x34: {  	[smem:$0x3FB1] =	sst s10  }
0x35: {  	s10 =	sld [smem:$0x3FB0];
	_ =	sdelay $0x3  }
0x36: {  	p1 =	seq.s32 s10, $0x1;
	s10 =	sld [smem:$0x3FB1];
	_ =	sdelay $0x3  }
0x37: {  	[smem:$0x3FB1] =	sst s10  }
0x38: {  	s10 =	sld [smem:$0x3FB2]  }
0x39: {  	_ = 	snop;
	(pc) =	sbr.ind lr, $3  }
0x3a: {  	_ = 	snop  }
0x3b: {  	_ = 	snop  }
0x3c: {  	p2 =	seq.s32 s10, $0x1;
	s10 =	sld [smem:$0x3FB1]  }
0x3d: {  	_ =	shalt  }
0x3e: {  	_ =	shalt  }
0x3f: {  	_ =	shalt  }
0x40: {  	_ =	shalt  }
0x41: {  	_ =	shalt  }
0x42: {  	_ =	shalt  }
0x43: {  	_ =	shalt  }
0x44: {  	_ =	shalt  }
0x45: {  	_ =	shalt  }
0x46: {  	_ =	shalt  }
0x47: {  	_ =	shalt  }
0x48: {  	_ =	shalt  }
0x49: {  	_ =	shalt  }
0x4a: {  	_ =	shalt  }
0x4b: {  	_ =	shalt  }
0x4c: {  	_ =	shalt  }
0x4d: {  	_ =	shalt  }
0x4e: {  	_ =	shalt  }
0x4f: {  	_ =	shalt  }
0x50: {  	_ =	shalt  }
0x51: {  	_ =	shalt  }
0x52: {  	_ =	shalt  }
0x53: {  	_ =	shalt  }
0x54: {  	_ =	shalt  }
0x55: {  	_ =	shalt  }
0x56: {  	_ =	shalt  }
0x57: {  	_ =	shalt  }
0x58: {  	_ =	shalt  }
0x59: {  	_ =	shalt  }
0x5a: {  	_ =	shalt  }
0x5b: {  	_ =	shalt  }
0x5c: {  	_ =	shalt  }
0x5d: {  	_ =	shalt  }
0x5e: {  	_ =	shalt  }
0x5f: {  	_ =	shalt  }
0x60: {  	_ =	shalt  }
0x61: {  	_ =	shalt  }
0x62: {  	_ =	shalt  }
0x63: {  	_ =	shalt  }
0x64: {  	_ =	shalt  }
0x65: {  	_ =	shalt  }
0x66: {  	_ =	shalt  }
0x67: {  	_ =	shalt  }
0x68: {  	_ =	shalt  }
0x69: {  	_ =	shalt  }
0x6a: {  	_ =	shalt  }
0x6b: {  	_ =	shalt  }
0x6c: {  	_ =	shalt  }
0x6d: {  	_ =	shalt  }
0x6e: {  	_ =	shalt  }
0x6f: {  	_ =	shalt  }
0x70: {  	_ =	shalt  }
0x71: {  	_ =	shalt  }
0x72: {  	_ =	shalt  }
0x73: {  	_ =	shalt  }
0x74: {  	_ =	shalt  }
0x75: {  	_ =	shalt  }
0x76: {  	_ =	shalt  }
0x77: {  	_ =	shalt  }
0x78: {  	_ =	shalt  }
0x79: {  	_ =	shalt  }
0x7a: {  	_ =	shalt  }
0x7b: {  	_ =	shalt  }
0x7c: {  	_ =	shalt  }
0x7d: {  	_ =	shalt  }
0x7e: {  	_ =	shalt  }
0x7f: {  	_ =	shalt  }
0x80: {  	_ =	shalt  }
0x81: {  	_ =	shalt  }
0x82: {  	_ =	shalt  }
0x83: {  	_ =	shalt  }
0x84: {  	_ =	shalt  }
0x85: {  	_ =	shalt  }
0x86: {  	_ =	shalt  }
0x87: {  	_ =	shalt  }
.Lfunc_end0:
.L_simem_size_0:
called_computation_lowered:
.L_overlay_start_0:
0x88: {  	s2 =	sld [smem:$0x3FD9]  }
0x89: {  	s3 =	sld [smem:$0x3FFE];
	_ =	sdelay $0x1  }
0x8a: {  	s1 =	srdreg.scid  }
0x8b: {  	s0 =	sand.u32 $0x1, s1  }
0x8c: {  	s14 =	sshll.u32 s0, $0xA;
	s2 =	sadd.s32 s3, s2  }
0x8d: {  	s2 =	sadd.s32 s2, s14  }
0x8e: {  	[smem:$0x3FBD] =	sst s2  }
0x8f: {  	_ = 	snop  }
0x90: {  	s2 =	sld [smem:$0x3FD0];
	_ =	sdelay $0x2  }
0x91: {  	s15 =	simm.s32 $0xA;
	s4 =	simm.s32 $0x10  }
0x92: {  	[smem:s4], [sflag:s15] =	dma.local [hbm:s2], $0x1  }
0x93: {  	_ =	swait.eq [sflag:s15], $0x1  }
0x94: {  	[sflag:s15] =	ssyncset.done $0x0  }
0x95: {  	[sflag:s15] =	ssyncadd.s32 $0xFFFFFFFF  }
0x96: {  	s16 =	sld [smem:$0x10];
	(tm) =	ssettm $0x1  }
0x97: {  	s17 =	sld [smem:$0x3FFB];
	_ =	sdelay $0x3  }
0x98: {  	_ =	strace s17  }
0x99: {  	s3 =	sld [smem:$0x3FFC];
	_ =	sdelay $0x3  }
0x9a: {  	_ =	strace s3  }
0x9b: {  	s3 =	sld [smem:$0x3FFD];
	_ =	sdelay $0x3  }
0x9c: {  	_ =	strace s3  }
0x9d: {  	_ =	strace $0x8FFFFFFF  }
0x9e: {  	s18 =	sld [smem:$0x3FDB];
	_ =	sdelay $0x1  }
0x9f: {  	s19 =	simm.s32 $_scs_section_size  }
0xa0: {  	s5 =	simm.s32 $_size__tile_overlayer_lowered;
	s6 =	simm.s32 $_tile_overlayer_lowered  }
0xa1: {  	s22 =	simm.s32 $0x1BFF;
	s21 =	sshll.u32 s6, $0x1;
	s3 =	sadd.s32 s19, s18  }
0xa2: {  	s7 =	simm.s32 $0x0;
	s20 =	sshll.u32 s5, $0x1;
	s5 =	sadd.s32 s21, s3  }
0xa3: {  	[timem:s7], [sflag:s22] =	dma.local [hbm:s5], s20  }
0xa4: {  	_ =	swait.ge [sflag:s22], s20  }
0xa5: {  	s4 =	ssub.s32 $0x0, s20;
	[sflag:s22] =	ssyncset.done $0x0  }
0xa6: {  	[sflag:s22] =	ssyncadd.s32 s4;
	_ =	sdelay $0x1  }
0xa7: {  	s23 =	simm.s32 $0x1B8B  }
0xa8: {  	_ =	swait.ge [sflag:s23], $0x1  }
0xa9: {  	[sflag:s23] =	ssyncset.done $0x0  }
0xaa: {  	s25 =	simm.s32 $0x1B8E;
	s24 =	sld [smem:$0x3FFE];
	[sflag:s23] =	ssyncadd.s32 $0xFFFFFFFF  }
0xab: {  	s26 =	simm.s32 $execute0_lowered;
	[smem:$0x3FD2] =	sst s25  }
0xac: {  	s5 =	sshll.u32 s26, $0x1;
	_ =	strace $0x80000046;
	[dreg:$0x1] =	wrdreg $0xFFFFFFFF  }
0xad: {  	s28 =	simm.s32 $_size_execute0_lowered;
	s3 =	sadd.s32 s3, s5;
	[dreg:$0x0] =	wrdreg $0x0  }
0xae: {  	s5 =	sshll.u32 s28, $0x1;
	[dreg:$0x2] =	wrdreg s3  }
0xaf: {  	[dreg:$0x3] =	wrdreg s5  }
0xb0: {  	[dreg:$0x4] =	wrdreg $0xC0  }
0xb1: {  	_ =	task [dreg:s7], $0x5FFFF  }
0xb2: {  	[dreg:$0x1] =	wrdreg $0xFFFFFFFF  }
0xb3: {  	[dreg:$0x0] =	wrdreg $0x60  }
0xb4: {  	[dreg:$0x2] =	wrdreg s24  }
0xb5: {  	[dreg:$0x3] =	wrdreg s16  }
0xb6: {  	[dreg:$0x4] =	wrdreg $0x9  }
0xb7: {  	_ =	task.clear_ibuf [dreg:s7], $0x5FFFF;
	_ =	strace $0x90000046  }
0xb8: {  	s29 =	simm.s32 $0x9;
	_ =	strace $0x80000048  }
0xb9: {  	_ =	swait.ge [sflag:s29], $0x1  }
0xba: {  	[sflag:s29] =	ssyncadd.s32 $0xFFFFFFFF  }
0xbb: {  	_ =	strace $0x90000048  }
0xbc: {  	_ =	sfence  }
0xbd: {  	s30 =	sld [smem:$0x0];
	_ =	sdelay $0x2  }
0xbe: {  	s31 =	sshll.u32 s1, $0xD;
	s1 =	sshrl.u32 s1, $0x2  }
0xbf: {  	s3 =	sand.u32 $0x4000, s31;
	s1 =	sadd.s32 s1, s30  }
0xc0: {  	s0 =	sor.u32 s3, s0;
	s1 =	sshll.u32 s1, $0x11  }
0xc1: {  	s0 =	sor.u32 s1, s0  }
0xc2: {  	s0 =	sadd.s32 $0x8F2B, s0  }
0xc3: {  	[sflag:s0] =	ssyncadd.remote.s32 $0x1  }
0xc4: {  	_ =	sfence.sel $0xFFFF  }
0xc5: {  	[dreg:$0x0] =	wrdreg $0xFFFFFFFF;
	(pc) =	sbr.abs _section_cstart, $3  }
0xc6: {  	[dreg:$0x1] =	wrdreg $0xFFFFFFFF  }
0xc7: {  	_ =	task.clear_ibuf [dreg:s7], $0x2FFFF;
	_ =	strace $0x9FFFFFFF  }
0xc8: {  	(tm) =	ssettm $0x7FFFFFFF  }
0xc9: {  	_ =	shalt  }
tec
execute0_lowered:
.L_overlay_start_1:
0x0: {  	(tag) =	ssettag $0x1  }
0x1: {  	s1 =	srdreg.scid;
	s5 =	rddreg [dreg:$0x0]  }
0x2: {  	s0 =	stileid.u32;
	s2 =	rddreg [dreg:$0x1]  }
0x3: {  	s10 =	simm.s32 $0x4;
	s11 =	simm.s32 $0x180;
	s12 =	simm.s32 $0x1540  }
0x4: {  	s13 =	simm.s32 $0x1;
	s14 =	simm.s32 $0x13C80;
	s15 =	simm.s32 $0x14480  }
0x5: {  	s16 =	simm.s32 $0x2;
	s1 =	sand.u32 $0x1, s1;
	s3 =	sshll.u32 s0, $0x1  }
0x6: {  	s17 =	simm.s32 $0x3;
	s18 =	simm.s32 $0x0;
	s8 =	sor.u32 s1, s3  }
0x7: {  	s3 =	simm.s32 $0x0;
	s1 =	ssub.s32 $0x2, s1;
	s6 =	smul.u32 $0x2A8, s8  }
0x8: {  	[smem:$0x7FF] =	sst s3;
	s4 =	smul.u32 $0x28, s8;
	s9 =	sshrl.u32 s1, $0x1  }
0x9: {  	s8 =	smul.u32 $0x14000, s8;
	_ =	strace $0x80000047;
	s1 =	ssub.s32 s1, s9  }
0xa: {  	s7 =	sadd.s32 s6, s5;
	s31 =	sadd.s32 s4, s5;
	s5 =	sadd.s32 $0x57600, s5  }
0xb: {  	s9 =	smax.u32 s1, $0x1;
	s6 =	sadd.s32 $0x51A00, s31;
	s7 =	sadd.s32 $0x52000, s7  }
.LBB2_1:
0xc: {  	[tilespmem:s3], [sflag:$0x4] =	stream.linear.gather [hbm4b:s6+s3], $0x140, $0x38;
	[tilespmem:$0x14C80] =	vst v63  }
0xd: {  	_ =	swait.ge [sflag:s10], $0x140  }
0xe: {  	[sflag:s10] =	ssyncset.done $0x0  }
0xf: {  	[sflag:s10] =	ssyncadd.s32 $0xFFFFFEC0  }
0x10: {  	[tilespmem:s11], [sflag:$0x4] =	stream.linear.gather [hbm4b:s7+s3], $0x1540, $0x38;
	[tilespmem:$0x14C80] =	vst v63  }
0x11: {  	_ =	swait.ge [sflag:s10], $0x1540  }
0x12: {  	[sflag:s10] =	ssyncset.done $0x0  }
0x13: {  	s19 =	simm.s32 $0x1700;
	[sflag:s10] =	ssyncadd.s32 $0xFFFFEAC0  }
0x14: {  	[tilespmem:s19], [sflag:$0x1] =	stream.indirect.gather [hbm4b:s2+s12], $0x1, s11, s12, $0xb8;
	[tilespmem:$0x14C80] =	vst v63  }
0x15: {  	_ =	swait.ge [sflag:s13], $0x1540  }
0x16: {  	s20 =	simm.s32 $0x1788;
	s21 =	simm.s32 $0x8;
	[sflag:s13] =	ssyncset.done $0x0  }
0x17: {  	s22 =	simm.s32 $0x0;
	s23 =	simm.s32 $0x0;
	[sflag:s13] =	ssyncadd.s32 $0xFFFFEAC0  }
.LBB2_2:
0x18: {  	p0 =	seq.s32 s23, $0x0  }
0x19: {  	s1 =	simm.s32 @!p0 $0x2  }
0x1a: {  	_ =	swait.ge @!p0 [sflag:s1], $0x800  }
0x1b: {  	[sflag:s1] =	ssyncset.done @!p0 $0x0  }
0x1c: {  	[sflag:s1] =	ssyncadd.s32 @!p0 $0xFFFFF800  }
0x1d: {  	v0 =	vld [tilespmem:s19+$0x0];
	_ =	sdelay $0x1  }
0x1e: {  	v1 =	vld.msk [tilespmem:s22+$0x0 ss:$0x0], $0xffff;
	_ =	sdelay $0x1  }
0x1f: {  	s25 =	simm.s32 $0x0  }
0x20: {  	s31 =	sand.u32 $0x3FFFF800, s25;
	v0 =	vmul.f32 $0.0e+00, v0  }
0x21: {  	s1 =	sadd.s32 $0x0, s31  }
0x22: {  	v0 =	vadd.f32 v1, v0;
	v1 =	vld [tilespmem:s1+$0x3C80];
	_ =	sdelay $0x1  }
0x23: {  	v0 =	vmax.f32 v0, $0.0e+00  }
0x24: {  	v0 =	vbroadcast v0, $0x0;
	_ =	sdelay $0x1  }
0x25: {  	v2 =	vmul.f32 v0, v1;
	_ =	sdelay $0x1  }
0x26: {  	v1 =	vadd.f32 v2, v1  }
0x27: {  	s26 =	simm.s32 $0x0  }
0x28: {  	[tilespmem:s26+$0x13C80] =	vst v1  }
0x29: {  	v1 =	vld [tilespmem:s1+$0x3C90];
	_ =	sdelay $0x4  }
0x2a: {  	v2 =	vmul.f32 v0, v1;
	_ =	sdelay $0x1  }
0x2b: {  	v1 =	vadd.f32 v2, v1;
	_ =	sdelay $0x1  }
0x2c: {  	[tilespmem:s26+$0x13C90] =	vst v1  }
0x2d: {  	v1 =	vld [tilespmem:s1+$0x3CA0];
	_ =	sdelay $0x4  }
0x2e: {  	v2 =	vmul.f32 v1, v0;
	_ =	sdelay $0x1  }
0x2f: {  	v1 =	vadd.f32 v2, v1;
	_ =	sdelay $0x1  }
0x30: {  	[tilespmem:s26+$0x13CA0] =	vst v1  }
0x31: {  	v1 =	vld [tilespmem:s1+$0x3CB0];
	_ =	sdelay $0x4  }
0x32: {  	v2 =	vmul.f32 v1, v0;
	_ =	sdelay $0x1  }
0x33: {  	v1 =	vadd.f32 v2, v1;
	_ =	sdelay $0x1  }
0x34: {  	[tilespmem:s26+$0x13CB0] =	vst v1  }
0x35: {  	v1 =	vld [tilespmem:s1+$0x3CC0];
	_ =	sdelay $0x4  }
0x36: {  	v2 =	vmul.f32 v1, v0;
	_ =	sdelay $0x1  }
0x37: {  	v1 =	vadd.f32 v2, v1;
	_ =	sdelay $0x1  }
0x38: {  	[tilespmem:s26+$0x13CC0] =	vst v1  }
0x39: {  	v1 =	vld [tilespmem:s1+$0x3CD0];
	_ =	sdelay $0x4  }
0x3a: {  	v2 =	vmul.f32 v1, v0;
	_ =	sdelay $0x1  }
0x3b: {  	v1 =	vadd.f32 v2, v1;
	_ =	sdelay $0x1  }
0x3c: {  	[tilespmem:s26+$0x13CD0] =	vst v1  }
0x3d: {  	v1 =	vld [tilespmem:s1+$0x3CE0];
	_ =	sdelay $0x4  }
0x3e: {  	v2 =	vmul.f32 v1, v0;
	_ =	sdelay $0x1  }
0x3f: {  	v1 =	vadd.f32 v2, v1;
	_ =	sdelay $0x1  }
0x40: {  	[tilespmem:s26+$0x13CE0] =	vst v1  }
0x41: {  	v1 =	vld [tilespmem:s1+$0x3CF0];
	_ =	sdelay $0x4  }
0x42: {  	v2 =	vmul.f32 v1, v0;
	_ =	sdelay $0x1  }
0x43: {  	v1 =	vadd.f32 v2, v1;
	_ =	sdelay $0x1  }
0x44: {  	[tilespmem:s26+$0x13CF0] =	vst v1  }
0x45: {  	v1 =	vld [tilespmem:s1+$0x4080];
	_ =	sdelay $0x4  }
0x46: {  	v2 =	vmul.f32 v1, v0;
	_ =	sdelay $0x1  }
0x47: {  	v1 =	vadd.f32 v2, v1;
	_ =	sdelay $0x1  }
0x48: {  	[tilespmem:s26+$0x14080] =	vst v1  }
0x49: {  	v1 =	vld [tilespmem:s1+$0x4090];
	_ =	sdelay $0x4  }
0x4a: {  	v2 =	vmul.f32 v1, v0;
	_ =	sdelay $0x1  }
0x4b: {  	v1 =	vadd.f32 v2, v1;
	_ =	sdelay $0x1  }
0x4c: {  	[tilespmem:s26+$0x14090] =	vst v1  }
0x4d: {  	v1 =	vld [tilespmem:s1+$0x40A0];
	_ =	sdelay $0x4  }
0x4e: {  	v2 =	vmul.f32 v1, v0;
	_ =	sdelay $0x1  }
0x4f: {  	v1 =	vadd.f32 v2, v1;
	_ =	sdelay $0x1  }
0x50: {  	[tilespmem:s26+$0x140A0] =	vst v1  }
0x51: {  	v1 =	vld [tilespmem:s1+$0x40B0];
	_ =	sdelay $0x4  }
0x52: {  	v2 =	vmul.f32 v1, v0;
	_ =	sdelay $0x1  }
0x53: {  	v1 =	vadd.f32 v2, v1;
	_ =	sdelay $0x1  }
0x54: {  	[tilespmem:s26+$0x140B0] =	vst v1  }
0x55: {  	v1 =	vld [tilespmem:s1+$0x40C0];
	_ =	sdelay $0x4  }
0x56: {  	v2 =	vmul.f32 v1, v0;
	_ =	sdelay $0x1  }
0x57: {  	v1 =	vadd.f32 v2, v1;
	_ =	sdelay $0x1  }
0x58: {  	[tilespmem:s26+$0x140C0] =	vst v1  }
0x59: {  	v1 =	vld [tilespmem:s1+$0x40D0];
	_ =	sdelay $0x4  }
0x5a: {  	v2 =	vmul.f32 v1, v0;
	_ =	sdelay $0x1  }
0x5b: {  	v1 =	vadd.f32 v2, v1;
	_ =	sdelay $0x1  }
0x5c: {  	[tilespmem:s26+$0x140D0] =	vst v1  }
0x5d: {  	v1 =	vld [tilespmem:s1+$0x40E0];
	_ =	sdelay $0x4  }
0x5e: {  	v2 =	vmul.f32 v1, v0;
	_ =	sdelay $0x1  }
0x5f: {  	v1 =	vadd.f32 v2, v1;
	_ =	sdelay $0x1  }
0x60: {  	[tilespmem:s26+$0x140E0] =	vst v1  }
0x61: {  	v1 =	vld [tilespmem:s1+$0x40F0];
	_ =	sdelay $0x4  }
0x62: {  	v0 =	vmul.f32 v1, v0;
	_ =	sdelay $0x1  }
0x63: {  	v0 =	vadd.f32 v0, v1;
	_ =	sdelay $0x1  }
0x64: {  	s24 =	sshll.u32 s23, $0x1;
	s28 =	sadd.s32 $0x11, s19;
	[tilespmem:s26+$0x140F0] =	vst v0  }
0x65: {  	s30 =	simm.s32 $0x400;
	s29 =	sadd.s32 $0x1, s22;
	s26 =	simm.s32 $0x200;
	v0 =	vld [tilespmem:s28+$0x0]  }
.LBB2_3:
0x66: {  	p1 =	sne.s32 s30, $0xE00;
	v1 =	vld.msk [tilespmem:s29+$0x0 ss:$0x0], $0xffff;
	_ =	sdelay $0x2  }
0x67: {  	s25 =	sadd.s32 $0x1100, s25  }
0x68: {  	s31 =	sshra.s32 s26, $0x2;
	s26 =	smov.u32 s30;
	s1 =	sand.u32 $0x3FFFF800, s25;
	v0 =	vmul.f32 $0.0e+00, v0  }
0x69: {  	s1 =	sadd.s32 s31, s1  }
0x6a: {  	v0 =	vadd.f32 v1, v0;
	v1 =	vld [tilespmem:s1+$0x3C80];
	_ =	sdelay $0x1  }
0x6b: {  	v0 =	vmax.f32 v0, $0.0e+00  }
0x6c: {  	v0 =	vbroadcast v0, $0x0;
	_ =	sdelay $0x1  }
0x6d: {  	v2 =	vmul.f32 v0, v1;
	_ =	sdelay $0x1  }
0x6e: {  	v1 =	vadd.f32 v2, v1;
	_ =	sdelay $0x1  }
0x6f: {  	[tilespmem:s31+$0x13C80] =	vst v1  }
0x70: {  	v1 =	vld [tilespmem:s1+$0x3C90];
	_ =	sdelay $0x4  }
0x71: {  	v2 =	vmul.f32 v0, v1;
	_ =	sdelay $0x1  }
0x72: {  	v1 =	vadd.f32 v2, v1;
	_ =	sdelay $0x1  }
0x73: {  	[tilespmem:s31+$0x13C90] =	vst v1  }
0x74: {  	v1 =	vld [tilespmem:s1+$0x3CA0];
	_ =	sdelay $0x4  }
0x75: {  	v2 =	vmul.f32 v1, v0;
	_ =	sdelay $0x1  }
0x76: {  	v1 =	vadd.f32 v2, v1;
	_ =	sdelay $0x1  }
0x77: {  	[tilespmem:s31+$0x13CA0] =	vst v1  }
0x78: {  	v1 =	vld [tilespmem:s1+$0x3CB0];
	_ =	sdelay $0x4  }
0x79: {  	v2 =	vmul.f32 v1, v0;
	_ =	sdelay $0x1  }
0x7a: {  	v1 =	vadd.f32 v2, v1;
	_ =	sdelay $0x1  }
0x7b: {  	[tilespmem:s31+$0x13CB0] =	vst v1  }
0x7c: {  	v1 =	vld [tilespmem:s1+$0x3CC0];
	_ =	sdelay $0x4  }
0x7d: {  	v2 =	vmul.f32 v1, v0;
	_ =	sdelay $0x1  }
0x7e: {  	v1 =	vadd.f32 v2, v1;
	_ =	sdelay $0x1  }
0x7f: {  	[tilespmem:s31+$0x13CC0] =	vst v1  }
0x80: {  	v1 =	vld [tilespmem:s1+$0x3CD0];
	_ =	sdelay $0x4  }
0x81: {  	v2 =	vmul.f32 v1, v0;
	_ =	sdelay $0x1  }
0x82: {  	v1 =	vadd.f32 v2, v1;
	_ =	sdelay $0x1  }
0x83: {  	[tilespmem:s31+$0x13CD0] =	vst v1  }
0x84: {  	v1 =	vld [tilespmem:s1+$0x3CE0];
	_ =	sdelay $0x4  }
0x85: {  	v2 =	vmul.f32 v1, v0;
	_ =	sdelay $0x1  }
0x86: {  	v1 =	vadd.f32 v2, v1;
	_ =	sdelay $0x1  }
0x87: {  	[tilespmem:s31+$0x13CE0] =	vst v1  }
0x88: {  	v1 =	vld [tilespmem:s1+$0x3CF0];
	_ =	sdelay $0x4  }
0x89: {  	v2 =	vmul.f32 v1, v0;
	_ =	sdelay $0x1  }
0x8a: {  	v1 =	vadd.f32 v2, v1;
	_ =	sdelay $0x1  }
0x8b: {  	[tilespmem:s31+$0x13CF0] =	vst v1  }
0x8c: {  	v1 =	vld [tilespmem:s1+$0x4080];
	_ =	sdelay $0x4  }
0x8d: {  	v2 =	vmul.f32 v1, v0;
	_ =	sdelay $0x1  }
0x8e: {  	v1 =	vadd.f32 v2, v1;
	_ =	sdelay $0x1  }
0x8f: {  	[tilespmem:s31+$0x14080] =	vst v1  }
0x90: {  	v1 =	vld [tilespmem:s1+$0x4090];
	_ =	sdelay $0x4  }
0x91: {  	v2 =	vmul.f32 v1, v0;
	_ =	sdelay $0x1  }
0x92: {  	v1 =	vadd.f32 v2, v1;
	_ =	sdelay $0x1  }
0x93: {  	[tilespmem:s31+$0x14090] =	vst v1  }
0x94: {  	v1 =	vld [tilespmem:s1+$0x40A0];
	_ =	sdelay $0x4  }
0x95: {  	v2 =	vmul.f32 v1, v0;
	_ =	sdelay $0x1  }
0x96: {  	v1 =	vadd.f32 v2, v1;
	_ =	sdelay $0x1  }
0x97: {  	[tilespmem:s31+$0x140A0] =	vst v1  }
0x98: {  	v1 =	vld [tilespmem:s1+$0x40B0];
	_ =	sdelay $0x4  }
0x99: {  	v2 =	vmul.f32 v1, v0;
	_ =	sdelay $0x1  }
0x9a: {  	v1 =	vadd.f32 v2, v1;
	_ =	sdelay $0x1  }
0x9b: {  	[tilespmem:s31+$0x140B0] =	vst v1  }
0x9c: {  	v1 =	vld [tilespmem:s1+$0x40C0];
	_ =	sdelay $0x4  }
0x9d: {  	v2 =	vmul.f32 v1, v0;
	_ =	sdelay $0x1  }
0x9e: {  	v1 =	vadd.f32 v2, v1;
	_ =	sdelay $0x1  }
0x9f: {  	[tilespmem:s31+$0x140C0] =	vst v1  }
0xa0: {  	v1 =	vld [tilespmem:s1+$0x40D0];
	_ =	sdelay $0x4  }
0xa1: {  	v2 =	vmul.f32 v1, v0;
	_ =	sdelay $0x1  }
0xa2: {  	v1 =	vadd.f32 v2, v1;
	_ =	sdelay $0x1  }
0xa3: {  	[tilespmem:s31+$0x140D0] =	vst v1  }
0xa4: {  	v1 =	vld [tilespmem:s1+$0x40E0];
	_ =	sdelay $0x4  }
0xa5: {  	v2 =	vmul.f32 v1, v0;
	_ =	sdelay $0x1  }
0xa6: {  	v1 =	vadd.f32 v2, v1;
	_ =	sdelay $0x1  }
0xa7: {  	[tilespmem:s31+$0x140E0] =	vst v1  }
0xa8: {  	v1 =	vld [tilespmem:s1+$0x40F0];
	_ =	sdelay $0x4  }
0xa9: {  	v0 =	vmul.f32 v1, v0  }
.Ltmp0:
0xaa: {  	(pc) =	sbr.rel @p1 .LBB2_3-.Ltmp0, $3  }
0xab: {  	v0 =	vadd.f32 v0, v1;
	_ =	sdelay $0x1  }
0xac: {  	s28 =	sadd.s32 $0x11, s28;
	[tilespmem:s31+$0x140F0] =	vst v0  }
0xad: {  	s30 =	sadd.s32 $0x200, s30;
	s29 =	sadd.s32 $0x1, s29;
	v0 =	vld [tilespmem:s28+$0x0]  }
0xae: {  	_ = 	snop  }
0xaf: {  	v1 =	vld.msk [tilespmem:s29+$0x0 ss:$0x0], $0xffff;
	_ =	sdelay $0x1  }
0xb0: {  	s1 =	sadd.s32 $0x1100, s25  }
0xb1: {  	s26 =	sshra.s32 s26, $0x2;
	s25 =	sand.u32 $0x3FFFF800, s1;
	v0 =	vmul.f32 $0.0e+00, v0  }
0xb2: {  	s25 =	sadd.s32 s26, s25  }
0xb3: {  	v0 =	vadd.f32 v1, v0;
	v1 =	vld [tilespmem:s25+$0x3C80];
	_ =	sdelay $0x1  }
0xb4: {  	v0 =	vmax.f32 v0, $0.0e+00  }
0xb5: {  	v0 =	vbroadcast v0, $0x0;
	_ =	sdelay $0x1  }
0xb6: {  	v2 =	vmul.f32 v0, v1;
	_ =	sdelay $0x1  }
0xb7: {  	v1 =	vadd.f32 v2, v1;
	_ =	sdelay $0x1  }
0xb8: {  	[tilespmem:s26+$0x13C80] =	vst v1  }
0xb9: {  	v1 =	vld [tilespmem:s25+$0x3C90];
	_ =	sdelay $0x4  }
0xba: {  	v2 =	vmul.f32 v0, v1;
	_ =	sdelay $0x1  }
0xbb: {  	v1 =	vadd.f32 v2, v1;
	_ =	sdelay $0x1  }
0xbc: {  	[tilespmem:s26+$0x13C90] =	vst v1  }
0xbd: {  	v1 =	vld [tilespmem:s25+$0x3CA0];
	_ =	sdelay $0x4  }
0xbe: {  	v2 =	vmul.f32 v1, v0;
	_ =	sdelay $0x1  }
0xbf: {  	v1 =	vadd.f32 v2, v1;
	_ =	sdelay $0x1  }
0xc0: {  	[tilespmem:s26+$0x13CA0] =	vst v1  }
0xc1: {  	v1 =	vld [tilespmem:s25+$0x3CB0];
	_ =	sdelay $0x4  }
0xc2: {  	v2 =	vmul.f32 v1, v0;
	_ =	sdelay $0x1  }
0xc3: {  	v1 =	vadd.f32 v2, v1;
	_ =	sdelay $0x1  }
0xc4: {  	[tilespmem:s26+$0x13CB0] =	vst v1  }
0xc5: {  	v1 =	vld [tilespmem:s25+$0x3CC0];
	_ =	sdelay $0x4  }
0xc6: {  	v2 =	vmul.f32 v1, v0;
	_ =	sdelay $0x1  }
0xc7: {  	v1 =	vadd.f32 v2, v1;
	_ =	sdelay $0x1  }
0xc8: {  	[tilespmem:s26+$0x13CC0] =	vst v1  }
0xc9: {  	v1 =	vld [tilespmem:s25+$0x3CD0];
	_ =	sdelay $0x4  }
0xca: {  	v2 =	vmul.f32 v1, v0;
	_ =	sdelay $0x1  }
0xcb: {  	v1 =	vadd.f32 v2, v1;
	_ =	sdelay $0x1  }
0xcc: {  	[tilespmem:s26+$0x13CD0] =	vst v1  }
0xcd: {  	v1 =	vld [tilespmem:s25+$0x3CE0];
	_ =	sdelay $0x4  }
0xce: {  	v2 =	vmul.f32 v1, v0;
	_ =	sdelay $0x1  }
0xcf: {  	v1 =	vadd.f32 v2, v1;
	_ =	sdelay $0x1  }
0xd0: {  	[tilespmem:s26+$0x13CE0] =	vst v1  }
0xd1: {  	v1 =	vld [tilespmem:s25+$0x3CF0];
	_ =	sdelay $0x4  }
0xd2: {  	v2 =	vmul.f32 v1, v0;
	_ =	sdelay $0x1  }
0xd3: {  	v1 =	vadd.f32 v2, v1;
	_ =	sdelay $0x1  }
0xd4: {  	[tilespmem:s26+$0x13CF0] =	vst v1  }
0xd5: {  	v1 =	vld [tilespmem:s25+$0x4080];
	_ =	sdelay $0x4  }
0xd6: {  	v2 =	vmul.f32 v1, v0;
	_ =	sdelay $0x1  }
0xd7: {  	v1 =	vadd.f32 v2, v1;
	_ =	sdelay $0x1  }
0xd8: {  	[tilespmem:s26+$0x14080] =	vst v1  }
0xd9: {  	v1 =	vld [tilespmem:s25+$0x4090];
	_ =	sdelay $0x4  }
0xda: {  	v2 =	vmul.f32 v1, v0;
	_ =	sdelay $0x1  }
0xdb: {  	v1 =	vadd.f32 v2, v1;
	_ =	sdelay $0x1  }
0xdc: {  	[tilespmem:s26+$0x14090] =	vst v1  }
0xdd: {  	v1 =	vld [tilespmem:s25+$0x40A0];
	_ =	sdelay $0x4  }
0xde: {  	v2 =	vmul.f32 v1, v0;
	_ =	sdelay $0x1  }
0xdf: {  	v1 =	vadd.f32 v2, v1;
	_ =	sdelay $0x1  }
0xe0: {  	[tilespmem:s26+$0x140A0] =	vst v1  }
0xe1: {  	v1 =	vld [tilespmem:s25+$0x40B0];
	_ =	sdelay $0x4  }
0xe2: {  	v2 =	vmul.f32 v1, v0;
	_ =	sdelay $0x1  }
0xe3: {  	v1 =	vadd.f32 v2, v1;
	_ =	sdelay $0x1  }
0xe4: {  	[tilespmem:s26+$0x140B0] =	vst v1  }
0xe5: {  	v1 =	vld [tilespmem:s25+$0x40C0];
	_ =	sdelay $0x4  }
0xe6: {  	v2 =	vmul.f32 v1, v0;
	_ =	sdelay $0x1  }
0xe7: {  	v1 =	vadd.f32 v2, v1;
	_ =	sdelay $0x1  }
0xe8: {  	[tilespmem:s26+$0x140C0] =	vst v1  }
0xe9: {  	v1 =	vld [tilespmem:s25+$0x40D0];
	_ =	sdelay $0x4  }
0xea: {  	v2 =	vmul.f32 v1, v0;
	_ =	sdelay $0x1  }
0xeb: {  	v1 =	vadd.f32 v2, v1;
	_ =	sdelay $0x1  }
0xec: {  	[tilespmem:s26+$0x140D0] =	vst v1  }
0xed: {  	v1 =	vld [tilespmem:s25+$0x40E0];
	_ =	sdelay $0x4  }
0xee: {  	v2 =	vmul.f32 v1, v0;
	_ =	sdelay $0x1  }
0xef: {  	v1 =	vadd.f32 v2, v1;
	_ =	sdelay $0x1  }
0xf0: {  	[tilespmem:s26+$0x140E0] =	vst v1  }
0xf1: {  	v1 =	vld [tilespmem:s25+$0x40F0];
	_ =	sdelay $0x4  }
0xf2: {  	v0 =	vmul.f32 v1, v0  }
0xf3: {  	s31 =	sshll.u32 s23, $0xC  }
0xf4: {  	s25 =	sadd.s32 s8, s31;
	v0 =	vadd.f32 v0, v1  }
0xf5: {  	s25 =	sshrl.u32 s25, $0x3  }
0xf6: {  	s1 =	simm.s32 @!p0 $0x3;
	s25 =	sadd.s32 s5, s25;
	[tilespmem:s26+$0x140F0] =	vst v0  }
0xf7: {  	[hbm4b:s25+s3] =	stream.linear.scatter [tilespmem:s14], [sflag:$0x2], $0x800, $0x38;
	[tilespmem:$0x14C80] =	vst v63  }
0xf8: {  	_ =	swait.ge @!p0 [sflag:s1], $0x800  }
0xf9: {  	[sflag:s1] =	ssyncset.done @!p0 $0x0  }
0xfa: {  	[sflag:s1] =	ssyncadd.s32 @!p0 $0xFFFFF800  }
0xfb: {  	v0 =	vld [tilespmem:s20+$0x0];
	_ =	sdelay $0x1  }
0xfc: {  	v1 =	vld.msk [tilespmem:s21+$0x0 ss:$0x0], $0xffff;
	_ =	sdelay $0x1  }
0xfd: {  	s25 =	simm.s32 $0x0  }
0xfe: {  	s26 =	sand.u32 $0x3FFFF800, s25;
	v0 =	vmul.f32 $0.0e+00, v0  }
0xff: {  	s1 =	sadd.s32 $0x0, s26  }
0x100: {  	v0 =	vadd.f32 v1, v0;
	v1 =	vld [tilespmem:s1+$0xC480];
	_ =	sdelay $0x1  }
0x101: {  	v0 =	vmax.f32 v0, $0.0e+00  }
0x102: {  	v0 =	vbroadcast v0, $0x0;
	_ =	sdelay $0x1  }
0x103: {  	v2 =	vmul.f32 v0, v1;
	_ =	sdelay $0x1  }
0x104: {  	v1 =	vadd.f32 v2, v1  }
0x105: {  	s31 =	simm.s32 $0x0  }
0x106: {  	[tilespmem:s31+$0x14480] =	vst v1  }
0x107: {  	v1 =	vld [tilespmem:s1+$0xC490];
	_ =	sdelay $0x4  }
0x108: {  	v2 =	vmul.f32 v0, v1;
	_ =	sdelay $0x1  }
0x109: {  	v1 =	vadd.f32 v2, v1;
	_ =	sdelay $0x1  }
0x10a: {  	[tilespmem:s31+$0x14490] =	vst v1  }
0x10b: {  	v1 =	vld [tilespmem:s1+$0xC4A0];
	_ =	sdelay $0x4  }
0x10c: {  	v2 =	vmul.f32 v1, v0;
	_ =	sdelay $0x1  }
0x10d: {  	v1 =	vadd.f32 v2, v1;
	_ =	sdelay $0x1  }
0x10e: {  	[tilespmem:s31+$0x144A0] =	vst v1  }
0x10f: {  	v1 =	vld [tilespmem:s1+$0xC4B0];
	_ =	sdelay $0x4  }
0x110: {  	v2 =	vmul.f32 v1, v0;
	_ =	sdelay $0x1  }
0x111: {  	v1 =	vadd.f32 v2, v1;
	_ =	sdelay $0x1  }
0x112: {  	[tilespmem:s31+$0x144B0] =	vst v1  }
0x113: {  	v1 =	vld [tilespmem:s1+$0xC4C0];
	_ =	sdelay $0x4  }
0x114: {  	v2 =	vmul.f32 v1, v0;
	_ =	sdelay $0x1  }
0x115: {  	v1 =	vadd.f32 v2, v1;
	_ =	sdelay $0x1  }
0x116: {  	[tilespmem:s31+$0x144C0] =	vst v1  }
0x117: {  	v1 =	vld [tilespmem:s1+$0xC4D0];
	_ =	sdelay $0x4  }
0x118: {  	v2 =	vmul.f32 v1, v0;
	_ =	sdelay $0x1  }
0x119: {  	v1 =	vadd.f32 v2, v1;
	_ =	sdelay $0x1  }
0x11a: {  	[tilespmem:s31+$0x144D0] =	vst v1  }
0x11b: {  	v1 =	vld [tilespmem:s1+$0xC4E0];
	_ =	sdelay $0x4  }
0x11c: {  	v2 =	vmul.f32 v1, v0;
	_ =	sdelay $0x1  }
0x11d: {  	v1 =	vadd.f32 v2, v1;
	_ =	sdelay $0x1  }
0x11e: {  	[tilespmem:s31+$0x144E0] =	vst v1  }
0x11f: {  	v1 =	vld [tilespmem:s1+$0xC4F0];
	_ =	sdelay $0x4  }
0x120: {  	v2 =	vmul.f32 v1, v0;
	_ =	sdelay $0x1  }
0x121: {  	v1 =	vadd.f32 v2, v1;
	_ =	sdelay $0x1  }
0x122: {  	[tilespmem:s31+$0x144F0] =	vst v1  }
0x123: {  	v1 =	vld [tilespmem:s1+$0xC880];
	_ =	sdelay $0x4  }
0x124: {  	v2 =	vmul.f32 v1, v0;
	_ =	sdelay $0x1  }
0x125: {  	v1 =	vadd.f32 v2, v1;
	_ =	sdelay $0x1  }
0x126: {  	[tilespmem:s31+$0x14880] =	vst v1  }
0x127: {  	v1 =	vld [tilespmem:s1+$0xC890];
	_ =	sdelay $0x4  }
0x128: {  	v2 =	vmul.f32 v1, v0;
	_ =	sdelay $0x1  }
0x129: {  	v1 =	vadd.f32 v2, v1;
	_ =	sdelay $0x1  }
0x12a: {  	[tilespmem:s31+$0x14890] =	vst v1  }
0x12b: {  	v1 =	vld [tilespmem:s1+$0xC8A0];
	_ =	sdelay $0x4  }
0x12c: {  	v2 =	vmul.f32 v1, v0;
	_ =	sdelay $0x1  }
0x12d: {  	v1 =	vadd.f32 v2, v1;
	_ =	sdelay $0x1  }
0x12e: {  	[tilespmem:s31+$0x148A0] =	vst v1  }
0x12f: {  	v1 =	vld [tilespmem:s1+$0xC8B0];
	_ =	sdelay $0x4  }
0x130: {  	v2 =	vmul.f32 v1, v0;
	_ =	sdelay $0x1  }
0x131: {  	v1 =	vadd.f32 v2, v1;
	_ =	sdelay $0x1  }
0x132: {  	[tilespmem:s31+$0x148B0] =	vst v1  }
0x133: {  	v1 =	vld [tilespmem:s1+$0xC8C0];
	_ =	sdelay $0x4  }
0x134: {  	v2 =	vmul.f32 v1, v0;
	_ =	sdelay $0x1  }
0x135: {  	v1 =	vadd.f32 v2, v1;
	_ =	sdelay $0x1  }
0x136: {  	[tilespmem:s31+$0x148C0] =	vst v1  }
0x137: {  	v1 =	vld [tilespmem:s1+$0xC8D0];
	_ =	sdelay $0x4  }
0x138: {  	v2 =	vmul.f32 v1, v0;
	_ =	sdelay $0x1  }
0x139: {  	v1 =	vadd.f32 v2, v1;
	_ =	sdelay $0x1  }
0x13a: {  	[tilespmem:s31+$0x148D0] =	vst v1  }
0x13b: {  	v1 =	vld [tilespmem:s1+$0xC8E0];
	_ =	sdelay $0x4  }
0x13c: {  	v2 =	vmul.f32 v1, v0;
	_ =	sdelay $0x1  }
0x13d: {  	v1 =	vadd.f32 v2, v1;
	_ =	sdelay $0x1  }
0x13e: {  	[tilespmem:s31+$0x148E0] =	vst v1  }
0x13f: {  	v1 =	vld [tilespmem:s1+$0xC8F0];
	_ =	sdelay $0x4  }
0x140: {  	v0 =	vmul.f32 v1, v0;
	_ =	sdelay $0x1  }
0x141: {  	v0 =	vadd.f32 v0, v1;
	_ =	sdelay $0x1  }
0x142: {  	s24 =	sor.u32 $0x1, s24;
	s28 =	sadd.s32 $0x11, s20;
	[tilespmem:s31+$0x148F0] =	vst v0  }
0x143: {  	s30 =	simm.s32 $0x400;
	s29 =	sadd.s32 $0x1, s21;
	s26 =	simm.s32 $0x200;
	v0 =	vld [tilespmem:s28+$0x0]  }
.LBB2_5:
0x144: {  	p0 =	sne.s32 s30, $0xE00;
	v1 =	vld.msk [tilespmem:s29+$0x0 ss:$0x0], $0xffff;
	_ =	sdelay $0x2  }
0x145: {  	s25 =	sadd.s32 $0x1100, s25  }
0x146: {  	s31 =	sshra.s32 s26, $0x2;
	s26 =	smov.u32 s30;
	s1 =	sand.u32 $0x3FFFF800, s25;
	v0 =	vmul.f32 $0.0e+00, v0  }
0x147: {  	s1 =	sadd.s32 s31, s1  }
0x148: {  	v0 =	vadd.f32 v1, v0;
	v1 =	vld [tilespmem:s1+$0xC480];
	_ =	sdelay $0x1  }
0x149: {  	v0 =	vmax.f32 v0, $0.0e+00  }
0x14a: {  	v0 =	vbroadcast v0, $0x0;
	_ =	sdelay $0x1  }
0x14b: {  	v2 =	vmul.f32 v0, v1;
	_ =	sdelay $0x1  }
0x14c: {  	v1 =	vadd.f32 v2, v1;
	_ =	sdelay $0x1  }
0x14d: {  	[tilespmem:s31+$0x14480] =	vst v1  }
0x14e: {  	v1 =	vld [tilespmem:s1+$0xC490];
	_ =	sdelay $0x4  }
0x14f: {  	v2 =	vmul.f32 v0, v1;
	_ =	sdelay $0x1  }
0x150: {  	v1 =	vadd.f32 v2, v1;
	_ =	sdelay $0x1  }
0x151: {  	[tilespmem:s31+$0x14490] =	vst v1  }
0x152: {  	v1 =	vld [tilespmem:s1+$0xC4A0];
	_ =	sdelay $0x4  }
0x153: {  	v2 =	vmul.f32 v1, v0;
	_ =	sdelay $0x1  }
0x154: {  	v1 =	vadd.f32 v2, v1;
	_ =	sdelay $0x1  }
0x155: {  	[tilespmem:s31+$0x144A0] =	vst v1  }
0x156: {  	v1 =	vld [tilespmem:s1+$0xC4B0];
	_ =	sdelay $0x4  }
0x157: {  	v2 =	vmul.f32 v1, v0;
	_ =	sdelay $0x1  }
0x158: {  	v1 =	vadd.f32 v2, v1;
	_ =	sdelay $0x1  }
0x159: {  	[tilespmem:s31+$0x144B0] =	vst v1  }
0x15a: {  	v1 =	vld [tilespmem:s1+$0xC4C0];
	_ =	sdelay $0x4  }
0x15b: {  	v2 =	vmul.f32 v1, v0;
	_ =	sdelay $0x1  }
0x15c: {  	v1 =	vadd.f32 v2, v1;
	_ =	sdelay $0x1  }
0x15d: {  	[tilespmem:s31+$0x144C0] =	vst v1  }
0x15e: {  	v1 =	vld [tilespmem:s1+$0xC4D0];
	_ =	sdelay $0x4  }
0x15f: {  	v2 =	vmul.f32 v1, v0;
	_ =	sdelay $0x1  }
0x160: {  	v1 =	vadd.f32 v2, v1;
	_ =	sdelay $0x1  }
0x161: {  	[tilespmem:s31+$0x144D0] =	vst v1  }
0x162: {  	v1 =	vld [tilespmem:s1+$0xC4E0];
	_ =	sdelay $0x4  }
0x163: {  	v2 =	vmul.f32 v1, v0;
	_ =	sdelay $0x1  }
0x164: {  	v1 =	vadd.f32 v2, v1;
	_ =	sdelay $0x1  }
0x165: {  	[tilespmem:s31+$0x144E0] =	vst v1  }
0x166: {  	v1 =	vld [tilespmem:s1+$0xC4F0];
	_ =	sdelay $0x4  }
0x167: {  	v2 =	vmul.f32 v1, v0;
	_ =	sdelay $0x1  }
0x168: {  	v1 =	vadd.f32 v2, v1;
	_ =	sdelay $0x1  }
0x169: {  	[tilespmem:s31+$0x144F0] =	vst v1  }
0x16a: {  	v1 =	vld [tilespmem:s1+$0xC880];
	_ =	sdelay $0x4  }
0x16b: {  	v2 =	vmul.f32 v1, v0;
	_ =	sdelay $0x1  }
0x16c: {  	v1 =	vadd.f32 v2, v1;
	_ =	sdelay $0x1  }
0x16d: {  	[tilespmem:s31+$0x14880] =	vst v1  }
0x16e: {  	v1 =	vld [tilespmem:s1+$0xC890];
	_ =	sdelay $0x4  }
0x16f: {  	v2 =	vmul.f32 v1, v0;
	_ =	sdelay $0x1  }
0x170: {  	v1 =	vadd.f32 v2, v1;
	_ =	sdelay $0x1  }
0x171: {  	[tilespmem:s31+$0x14890] =	vst v1  }
0x172: {  	v1 =	vld [tilespmem:s1+$0xC8A0];
	_ =	sdelay $0x4  }
0x173: {  	v2 =	vmul.f32 v1, v0;
	_ =	sdelay $0x1  }
0x174: {  	v1 =	vadd.f32 v2, v1;
	_ =	sdelay $0x1  }
0x175: {  	[tilespmem:s31+$0x148A0] =	vst v1  }
0x176: {  	v1 =	vld [tilespmem:s1+$0xC8B0];
	_ =	sdelay $0x4  }
0x177: {  	v2 =	vmul.f32 v1, v0;
	_ =	sdelay $0x1  }
0x178: {  	v1 =	vadd.f32 v2, v1;
	_ =	sdelay $0x1  }
0x179: {  	[tilespmem:s31+$0x148B0] =	vst v1  }
0x17a: {  	v1 =	vld [tilespmem:s1+$0xC8C0];
	_ =	sdelay $0x4  }
0x17b: {  	v2 =	vmul.f32 v1, v0;
	_ =	sdelay $0x1  }
0x17c: {  	v1 =	vadd.f32 v2, v1;
	_ =	sdelay $0x1  }
0x17d: {  	[tilespmem:s31+$0x148C0] =	vst v1  }
0x17e: {  	v1 =	vld [tilespmem:s1+$0xC8D0];
	_ =	sdelay $0x4  }
0x17f: {  	v2 =	vmul.f32 v1, v0;
	_ =	sdelay $0x1  }
0x180: {  	v1 =	vadd.f32 v2, v1;
	_ =	sdelay $0x1  }
0x181: {  	[tilespmem:s31+$0x148D0] =	vst v1  }
0x182: {  	v1 =	vld [tilespmem:s1+$0xC8E0];
	_ =	sdelay $0x4  }
0x183: {  	v2 =	vmul.f32 v1, v0;
	_ =	sdelay $0x1  }
0x184: {  	v1 =	vadd.f32 v2, v1;
	_ =	sdelay $0x1  }
0x185: {  	[tilespmem:s31+$0x148E0] =	vst v1  }
0x186: {  	v1 =	vld [tilespmem:s1+$0xC8F0];
	_ =	sdelay $0x4  }
0x187: {  	v0 =	vmul.f32 v1, v0  }
.Ltmp1:
0x188: {  	(pc) =	sbr.rel @p0 .LBB2_5-.Ltmp1, $3  }
0x189: {  	v0 =	vadd.f32 v0, v1;
	_ =	sdelay $0x1  }
0x18a: {  	s28 =	sadd.s32 $0x11, s28;
	[tilespmem:s31+$0x148F0] =	vst v0  }
0x18b: {  	s30 =	sadd.s32 $0x200, s30;
	s29 =	sadd.s32 $0x1, s29;
	v0 =	vld [tilespmem:s28+$0x0]  }
0x18c: {  	_ = 	snop  }
0x18d: {  	v1 =	vld.msk [tilespmem:s29+$0x0 ss:$0x0], $0xffff;
	_ =	sdelay $0x1  }
0x18e: {  	s1 =	sadd.s32 $0x1100, s25  }
0x18f: {  	s30 =	sshra.s32 s26, $0x2;
	s25 =	sand.u32 $0x3FFFF800, s1;
	v0 =	vmul.f32 $0.0e+00, v0  }
0x190: {  	s25 =	sadd.s32 s30, s25  }
0x191: {  	v49 =	vld [tilespmem:s25+$0xC480];
	v0 =	vadd.f32 v1, v0;
	_ =	sdelay $0x1  }
0x192: {  	v0 =	vmax.f32 v0, $0.0e+00  }
0x193: {  	v0 =	vbroadcast v0, $0x0;
	_ =	sdelay $0x1  }
0x194: {  	v2 =	vmul.f32 v0, v49;
	_ =	sdelay $0x1  }
0x195: {  	v1 =	vadd.f32 v2, v49;
	_ =	sdelay $0x1  }
0x196: {  	[tilespmem:s30+$0x14480] =	vst v1  }
0x197: {  	v1 =	vld [tilespmem:s25+$0xC490];
	_ =	sdelay $0x4  }
0x198: {  	v50 =	vmul.f32 v0, v1;
	_ =	sdelay $0x1  }
0x199: {  	v1 =	vadd.f32 v50, v1;
	_ =	sdelay $0x1  }
0x19a: {  	[tilespmem:s30+$0x14490] =	vst v1  }
0x19b: {  	v1 =	vld [tilespmem:s25+$0xC4A0];
	_ =	sdelay $0x4  }
0x19c: {  	v51 =	vmul.f32 v1, v0;
	_ =	sdelay $0x1  }
0x19d: {  	v1 =	vadd.f32 v51, v1;
	_ =	sdelay $0x1  }
0x19e: {  	[tilespmem:s30+$0x144A0] =	vst v1  }
0x19f: {  	v1 =	vld [tilespmem:s25+$0xC4B0];
	_ =	sdelay $0x4  }
0x1a0: {  	v52 =	vmul.f32 v1, v0;
	_ =	sdelay $0x1  }
0x1a1: {  	v1 =	vadd.f32 v52, v1;
	_ =	sdelay $0x1  }
0x1a2: {  	[tilespmem:s30+$0x144B0] =	vst v1  }
0x1a3: {  	v1 =	vld [tilespmem:s25+$0xC4C0];
	_ =	sdelay $0x4  }
0x1a4: {  	v53 =	vmul.f32 v1, v0;
	_ =	sdelay $0x1  }
0x1a5: {  	v1 =	vadd.f32 v53, v1;
	_ =	sdelay $0x1  }
0x1a6: {  	[tilespmem:s30+$0x144C0] =	vst v1  }
0x1a7: {  	v1 =	vld [tilespmem:s25+$0xC4D0];
	_ =	sdelay $0x4  }
0x1a8: {  	v54 =	vmul.f32 v1, v0;
	_ =	sdelay $0x1  }
0x1a9: {  	v1 =	vadd.f32 v54, v1;
	_ =	sdelay $0x1  }
0x1aa: {  	[tilespmem:s30+$0x144D0] =	vst v1  }
0x1ab: {  	v1 =	vld [tilespmem:s25+$0xC4E0];
	_ =	sdelay $0x4  }
0x1ac: {  	v55 =	vmul.f32 v1, v0;
	_ =	sdelay $0x1  }
0x1ad: {  	v1 =	vadd.f32 v55, v1;
	_ =	sdelay $0x1  }
0x1ae: {  	[tilespmem:s30+$0x144E0] =	vst v1  }
0x1af: {  	v1 =	vld [tilespmem:s25+$0xC4F0];
	_ =	sdelay $0x4  }
0x1b0: {  	v56 =	vmul.f32 v1, v0;
	_ =	sdelay $0x1  }
0x1b1: {  	v1 =	vadd.f32 v56, v1;
	_ =	sdelay $0x1  }
0x1b2: {  	[tilespmem:s30+$0x144F0] =	vst v1  }
0x1b3: {  	v1 =	vld [tilespmem:s25+$0xC880];
	_ =	sdelay $0x4  }
0x1b4: {  	v57 =	vmul.f32 v1, v0;
	_ =	sdelay $0x1  }
0x1b5: {  	v1 =	vadd.f32 v57, v1;
	_ =	sdelay $0x1  }
0x1b6: {  	[tilespmem:s30+$0x14880] =	vst v1  }
0x1b7: {  	v1 =	vld [tilespmem:s25+$0xC890];
	_ =	sdelay $0x4  }
0x1b8: {  	v58 =	vmul.f32 v1, v0;
	_ =	sdelay $0x1  }
0x1b9: {  	v1 =	vadd.f32 v58, v1;
	_ =	sdelay $0x1  }
0x1ba: {  	[tilespmem:s30+$0x14890] =	vst v1  }
0x1bb: {  	v1 =	vld [tilespmem:s25+$0xC8A0];
	_ =	sdelay $0x4  }
0x1bc: {  	v59 =	vmul.f32 v1, v0;
	_ =	sdelay $0x1  }
0x1bd: {  	v1 =	vadd.f32 v59, v1;
	_ =	sdelay $0x1  }
0x1be: {  	[tilespmem:s30+$0x148A0] =	vst v1  }
0x1bf: {  	v1 =	vld [tilespmem:s25+$0xC8B0];
	_ =	sdelay $0x4  }
0x1c0: {  	v60 =	vmul.f32 v1, v0;
	_ =	sdelay $0x1  }
0x1c1: {  	v1 =	vadd.f32 v60, v1;
	_ =	sdelay $0x1  }
0x1c2: {  	[tilespmem:s30+$0x148B0] =	vst v1  }
0x1c3: {  	v1 =	vld [tilespmem:s25+$0xC8C0];
	_ =	sdelay $0x4  }
0x1c4: {  	v61 =	vmul.f32 v1, v0;
	_ =	sdelay $0x1  }
0x1c5: {  	v1 =	vadd.f32 v61, v1;
	_ =	sdelay $0x1  }
0x1c6: {  	[tilespmem:s30+$0x148C0] =	vst v1  }
0x1c7: {  	v1 =	vld [tilespmem:s25+$0xC8D0];
	_ =	sdelay $0x4  }
0x1c8: {  	v62 =	vmul.f32 v1, v0;
	_ =	sdelay $0x1  }
0x1c9: {  	v1 =	vadd.f32 v62, v1;
	_ =	sdelay $0x1  }
0x1ca: {  	[tilespmem:s30+$0x148D0] =	vst v1  }
0x1cb: {  	v1 =	vld [tilespmem:s25+$0xC8E0];
	_ =	sdelay $0x4  }
0x1cc: {  	v63 =	vmul.f32 v1, v0;
	_ =	sdelay $0x1  }
0x1cd: {  	v1 =	vadd.f32 v63, v1;
	_ =	sdelay $0x1  }
0x1ce: {  	[tilespmem:s30+$0x148E0] =	vst v1  }
0x1cf: {  	v1 =	vld [tilespmem:s25+$0xC8F0];
	_ =	sdelay $0x3  }
0x1d0: {  	s23 =	sadd.s32 $0x1, s23  }
0x1d1: {  	p0 =	sne.s32 s23, $0x14;
	v0 =	vmul.f32 v1, v0  }
.Ltmp2:
0x1d2: {  	s24 =	sadd.s32 s4, s24;
	(pc) =	sbr.rel @p0 .LBB2_2-.Ltmp2, $4  }
0x1d3: {  	s24 =	sshll.u32 s24, $0x8;
	v0 =	vadd.f32 v0, v1  }
0x1d4: {  	s19 =	sadd.s32 $0x110, s19;
	s22 =	sadd.s32 $0x10, s22;
	s24 =	sand.u32 $0x1FFFFF00, s24  }
0x1d5: {  	s20 =	sadd.s32 $0x110, s20;
	s21 =	sadd.s32 $0x10, s21;
	s31 =	sadd.s32 s5, s24;
	[tilespmem:s30+$0x148F0] =	vst v0  }
0x1d6: {  	[hbm4b:s31+s3] =	stream.linear.scatter [tilespmem:s15], [sflag:$0x3], $0x800, $0x38;
	[tilespmem:$0x14C80] =	vst v63  }
0x1d7: {  	s18 =	sadd.s32 $0x1, s18  }
0x1d8: {  	_ =	swait.ge [sflag:s16], $0x800;
	p0 =	sne.s32 s18, s9  }
.Ltmp3:
0x1d9: {  	[sflag:s16] =	ssyncset.done $0x0;
	(pc) =	sbr.rel @p0 .LBB2_1-.Ltmp3, $4  }
0x1da: {  	[sflag:s16] =	ssyncadd.s32 $0xFFFFF800  }
0x1db: {  	_ =	swait.ge [sflag:s17], $0x800  }
0x1dc: {  	[sflag:s17] =	ssyncset.done $0x0  }
0x1dd: {  	[sflag:s17] =	ssyncadd.s32 $0xFFFFF800  }
0x1de: {  	_ =	sfence.sel $0x180000  }
0x1df: {  	[bflag:$0x0] =	sbarrier.arrive $0xFFFF  }
0x1e0: {  	_ =	strace $0x90000047  }
0x1e1: {  	[bflag:$0x2] =	sbarrier.arrive $0xFFFF  }
0x1e2: {  	p0 =	sne.s32 s0, $0x0;
	s0 =	rddreg [dreg:$0x2]  }
0x1e3: {  	s0 =	sadd.s32 @!p0 $0x100000, s0  }
0x1e4: {  	[sflag:s0] =	ssyncadd.tile.s32 @!p0 $0x1;
	_ =	shalt  }
.Lfunc_end2:
_tile_overlayer_lowered:
.L_overlay_start_2:
0x1e5: {  	(tag) =	ssettag $0x2  }
0x1e6: {  	s0 =	rddreg [dreg:$0x0];
	s2 =	stileid.u32  }
0x1e7: {  	s1 =	rddreg [dreg:$0x1];
	p0 =	sne.s32 s2, $0x0  }
0x1e8: {  	s3 =	rddreg [dreg:$0x2];
	[bflag:$0x3] =	sbarrier.arrive $0xFFFF;
	s2 =	simm.s32 @!p0 $0x1C04  }
0x1e9: {  	[timem:s3], [sflag:s2] =	dma.local @!p0 [hbm:s0], s1  }
0x1ea: {  	s0 =	simm.s32 @!p0 $0x4  }
0x1eb: {  	_ =	swait.ge @!p0 [sflag:s0], s1  }
0x1ec: {  	s1 =	ssub.s32 @!p0 $0x0, s1;
	[sflag:s0] =	ssyncset.done @!p0 $0x0  }
0x1ed: {  	[sflag:s0] =	ssyncadd.s32 @!p0 s1  }
0x1ee: {  	[bflag:$0x3] =	sbarrier.arrive $0xFFFF  }
0x1ef: {  	_ =	shalt  }

</sc_bundles>
